<compile_context>
chip_gen: v7x
topology: tpu7x:2x2x1
jax: 0.10.2.dev20260603
libtpu: 0.0.44.dev20260713+nightly
codegen_flags: <defaults>
</compile_context>

<pallas_src>
import jax
import jax.numpy as jnp
from jax import lax
from jax.experimental import pallas as pl
from jax.experimental.pallas import tpu as pltpu
from jax.experimental.pallas import tpu_sc as plsc

SEQ_LEN = 4096
BATCH = 4
D_MODEL = 1024
LANES = 16

NC, NS = 2, 16
NW = NC * NS
LPW = SEQ_LEN // NW
CL = 4
NCHUNK = LPW // CL
CROWS = CL * 32
NBUF = 4

XROWS = SEQ_LEN * 32
PEROWS = SEQ_LEN * 8

_GDN = lax.GatherDimensionNumbers(
    offset_dims=(), collapsed_slice_dims=(0,), start_index_map=(0,))


def _vgather(v, idx):
    return lax.gather(v, idx[:, None], dimension_numbers=_GDN,
                      slice_sizes=(1,),
                      mode=lax.GatherScatterMode.PROMISE_IN_BOUNDS)


def _body(x_hbm, idx_hbm, pe_hbm, out_hbm, idxq, lbuf, xbuf,
          semx, semga, semout):
    wid = lax.axis_index("s") * NC + lax.axis_index("c")
    xbase = wid * (LPW * 32)

    iota = lax.iota(jnp.int32, LANES)
    perm_lo = lax.bitwise_and(iota, 3)
    dt_hi = lax.shift_right_logical(iota, 2)

    def start_x(b, c):
        pltpu.async_copy(x_hbm.at[pl.ds(xbase + c * CROWS, CROWS)],
                         xbuf.at[b], semx.at[b])

    def wait_x(b):
        pltpu.make_async_copy(x_hbm.at[pl.ds(0, CROWS)], xbuf.at[b],
                              semx.at[b]).wait()

    def start_ga(b, c):
        row = lax.shift_right_logical(c, 3)
        col = lax.bitwise_and(c, 7) * LANES
        raw = idxq[row, pl.ds(col, LANES)]
        for i in range(8):
            perm = perm_lo + 4 * (i // 2)
            dt = dt_hi + 4 * (i % 2)
            lbuf[b, pl.ds(i * LANES, LANES)] = _vgather(raw, perm) * 8 + dt
        pltpu.async_copy(pe_hbm.at[lbuf.at[b]], xbuf.at[b], semga.at[b],
                         add=True)

    def wait_ga(b):
        pltpu.make_async_copy(x_hbm.at[pl.ds(0, CROWS)], xbuf.at[b],
                              semga.at[b]).wait()

    def start_out(b, c):
        pltpu.async_copy(xbuf.at[b], out_hbm.at[pl.ds(xbase + c * CROWS, CROWS)],
                         semout.at[b])

    def wait_out(b):
        pltpu.make_async_copy(xbuf.at[b], out_hbm.at[pl.ds(0, CROWS)],
                              semout.at[b]).wait()

    for k in range(NBUF - 2):
        start_x(k, k)
    pltpu.sync_copy(idx_hbm.at[pl.ds(wid * BATCH, BATCH)], idxq)

    def group(g, carry):
        for b in range(NBUF):
            c = g * NBUF + b
            wait_x(b)
            start_ga(b, c)
            cf = c + NBUF - 2
            bpre = (b + NBUF - 2) % NBUF

            @pl.when(cf < NCHUNK)
            def _():
                pl.when(cf >= NBUF)(lambda: wait_out(bpre))
                start_x(bpre, cf)

            bm1 = (b + NBUF - 1) % NBUF

            @pl.when(c >= 1)
            def _():
                wait_ga(bm1)
                start_out(bm1, c - 1)
        return carry

    lax.fori_loop(0, NCHUNK // NBUF, group, 0)

    blast = (NCHUNK - 1) % NBUF
    wait_ga(blast)
    start_out(blast, NCHUNK - 1)
    for k in range(NCHUNK - NBUF, NCHUNK):
        wait_out(k % NBUF)


@jax.jit
def _sc_add_gather(xv, idxv, pev):
    mesh = plsc.VectorSubcoreMesh(
        core_axis_name="c", subcore_axis_name="s",
        num_cores=NC, num_subcores=NS,
    )
    return pl.kernel(
        _body,
        out_type=jax.ShapeDtypeStruct((XROWS, 128), jnp.float32),
        mesh=mesh,
        scratch_types=[
            pltpu.VMEM((BATCH, 128), jnp.int32),
            pltpu.VMEM((NBUF, CROWS), jnp.int32),
            pltpu.VMEM((NBUF, CROWS, 128), jnp.float32),
            pltpu.SemaphoreType.DMA((NBUF,)),
            pltpu.SemaphoreType.DMA((NBUF,)),
            pltpu.SemaphoreType.DMA((NBUF,)),
        ],
    )(xv, idxv, pev)


def kernel(x, index, pe):
    xv = jnp.transpose(x.reshape(SEQ_LEN, BATCH, 8, 128),
                       (0, 2, 1, 3)).reshape(XROWS, 128)
    pev = pe.reshape(PEROWS, 128)
    idxv = index.astype(jnp.int32).T.reshape(128, 128)
    o = _sc_add_gather(xv, idxv, pev)
    return jnp.transpose(o.reshape(SEQ_LEN, 8, BATCH, 128),
                         (0, 2, 1, 3)).reshape(SEQ_LEN, BATCH, D_MODEL)

# --- scband reference (transcript-rebuilt; emitter-appended) ---
"""Pipeline reference for scband-semantic-encoding-53137335386143 (READ-ONLY COPY).

The authoritative reference and input builder live on the scoring server;
editing this copy changes nothing except your own understanding.
"""

import jax, jax.numpy as jnp
import numpy as np

SEQ_LEN = 4096
BATCH = 4
D_MODEL = 1024

def setup_inputs(seed: int = 0) -> dict:
    key = jax.random.key(seed)
    k1, k2, k3 = jax.random.split(key, 3)
    x = jax.random.normal(k1, (SEQ_LEN, BATCH, D_MODEL), dtype=jnp.float32)
    index = jax.random.randint(k2, (BATCH, SEQ_LEN), 0, SEQ_LEN, dtype=jnp.int64)
    # learned positional-embedding parameter pe: [seq_len, 1, d_model]
    pe = jax.random.normal(k3, (SEQ_LEN, 1, D_MODEL), dtype=jnp.float32) * 0.02
    return {"x": x, "index": index, "pe": pe}

def reference(x, index, pe):
    # pe[index.reshape(-1)] -> [B*L, 1, d_model]
    gathered = jnp.take(pe, index.reshape(-1), axis=0)
    # reshape to [B, L, d_model] (the middle singleton dim folds into d_model)
    gathered = gathered.reshape(index.shape[0], index.shape[1], -1)
    # permute(1, 0, 2) -> [L, B, d_model]
    gathered = jnp.transpose(gathered, (1, 0, 2))
    return x + gathered

if __name__ == "__main__":
    import jax
    _d = setup_inputs()
    print(jax.jit(kernel)(*tuple(_d.values())))

</pallas_src>

<mosaic_0001>
#map = affine_map<(d0, d1) -> (0, 0)>
module attributes {stable_mosaic.version = 14 : i64} {
  func.func @_body(%arg0: i32, %arg1: i32, %arg2: memref<131072x128xf32, #tpu.memory_space<hbm>>, %arg3: memref<128x128xi32, #tpu.memory_space<hbm>>, %arg4: memref<32768x128xf32, #tpu.memory_space<hbm>>, %arg5: memref<131072x128xf32, #tpu.memory_space<hbm>>, %arg6: memref<4x128xi32, #tpu.memory_space<vmem>>, %arg7: memref<4x128xi32, #tpu.memory_space<vmem>>, %arg8: memref<4x128x128xf32, #tpu.memory_space<vmem>>, %arg9: memref<4x!tpu.dma_semaphore, #tpu.memory_space<semaphore_mem>>, %arg10: memref<4x!tpu.dma_semaphore, #tpu.memory_space<semaphore_mem>>, %arg11: memref<4x!tpu.dma_semaphore, #tpu.memory_space<semaphore_mem>>) attributes {dimension_semantics = [#tpu.dimension_semantics<core_parallel>, #tpu.dimension_semantics<subcore_parallel>], iteration_bounds = array<i64: 2, 16>, scalar_prefetch = 0 : i64, scratch_operands = 6 : i64, tpu.core_type = #tpu.core_type<sc_vector_subcore>, window_params = [{transform_indices = #map}, {transform_indices = #map}, {transform_indices = #map}, {transform_indices = #map}]} {
    %mul3A = arith.constant 2 : i32
    %mul3A_0 = arith.muli %arg1, %mul3A : i32
    %add3A = arith.addi %mul3A_0, %arg0 : i32
    %mul3A_1 = arith.constant 4096 : i32
    %mul3A_2 = arith.muli %add3A, %mul3A_1 : i32
    %iota3A = tpu.iota {dimensions = array<i32: 0>} : vector<16xi32>
    %and3A = arith.constant 3 : i32
    %and3A_3 = vector.broadcast %and3A : i32 to vector<16xi32>
    %and3A_4 = arith.andi %iota3A, %and3A_3 : vector<16xi32>
    %shift_right_logical3A = arith.constant 2 : i32
    %shift_right_logical3A_5 = vector.broadcast %shift_right_logical3A : i32 to vector<16xi32>
    %shift_right_logical3A_6 = arith.shrui %iota3A, %shift_right_logical3A_5 : vector<16xi32>
    %add3A_7 = arith.constant 0 : i32
    %add3A_8 = arith.addi %mul3A_2, %add3A_7 : i32
    %dma_start3A = arith.constant 0 : i32
    %dma_start3A_9 = arith.constant 0 : i32
    %dma_start3A_10 = arith.constant 0 : i32
    %dma_start3A_11 = arith.constant 0 : i32
    %dma_start3A_12 = tpu.memref_slice %arg8[%dma_start3A, %dma_start3A_10, %dma_start3A_11] : memref<4x128x128xf32, #tpu.memory_space<vmem>> -> memref<1x128x128xf32, #tpu.memory_space<vmem>>
    %dma_start3A_13 = tpu.memref_squeeze %dma_start3A_12 : memref<1x128x128xf32, #tpu.memory_space<vmem>> -> memref<128x128xf32, #tpu.memory_space<vmem>>
    %dma_start3A_14 = arith.constant 0 : i32
    %dma_start3A_15 = tpu.memref_slice %arg2[%add3A_8, %dma_start3A_14] : memref<131072x128xf32, #tpu.memory_space<hbm>> -> memref<128x128xf32, #tpu.memory_space<hbm>>
    %dma_start3A_16 = tpu.memref_slice %arg9[%dma_start3A_9] : memref<4x!tpu.dma_semaphore, #tpu.memory_space<semaphore_mem>> -> memref<1x!tpu.dma_semaphore, #tpu.memory_space<semaphore_mem>>
    %dma_start3A_17 = tpu.memref_squeeze %dma_start3A_16 : memref<1x!tpu.dma_semaphore, #tpu.memory_space<semaphore_mem>> -> memref<!tpu.dma_semaphore, #tpu.memory_space<semaphore_mem>>
    %dma_start3A_18 = arith.constant 0 : i32
    %dma_start3A_19 = arith.constant 0 : i32
    %dma_start3A_20 = tpu.memref_slice %arg8[%dma_start3A, %dma_start3A_18, %dma_start3A_19] : memref<4x128x128xf32, #tpu.memory_space<vmem>> -> memref<1x128x128xf32, #tpu.memory_space<vmem>>
    %dma_start3A_21 = tpu.memref_squeeze %dma_start3A_20 : memref<1x128x128xf32, #tpu.memory_space<vmem>> -> memref<128x128xf32, #tpu.memory_space<vmem>>
    %dma_start3A_22 = arith.constant 0 : i32
    %dma_start3A_23 = tpu.memref_slice %arg2[%add3A_8, %dma_start3A_22] : memref<131072x128xf32, #tpu.memory_space<hbm>> -> memref<128x128xf32, #tpu.memory_space<hbm>>
    tpu.enqueue_dma source(%dma_start3A_23 : memref<128x128xf32, #tpu.memory_space<hbm>>) target(%dma_start3A_21 : memref<128x128xf32, #tpu.memory_space<vmem>>) target_semaphore(%dma_start3A_17 : memref<!tpu.dma_semaphore, #tpu.memory_space<semaphore_mem>>)
    %add3A_24 = arith.constant 128 : i32
    %add3A_25 = arith.addi %mul3A_2, %add3A_24 : i32
    %dma_start3A_26 = arith.constant 1 : i32
    %dma_start3A_27 = arith.constant 1 : i32
    %dma_start3A_28 = arith.constant 0 : i32
    %dma_start3A_29 = arith.constant 0 : i32
    %dma_start3A_30 = tpu.memref_slice %arg8[%dma_start3A_26, %dma_start3A_28, %dma_start3A_29] : memref<4x128x128xf32, #tpu.memory_space<vmem>> -> memref<1x128x128xf32, #tpu.memory_space<vmem>>
    %dma_start3A_31 = tpu.memref_squeeze %dma_start3A_30 : memref<1x128x128xf32, #tpu.memory_space<vmem>> -> memref<128x128xf32, #tpu.memory_space<vmem>>
    %dma_start3A_32 = arith.constant 0 : i32
    %dma_start3A_33 = tpu.memref_slice %arg2[%add3A_25, %dma_start3A_32] : memref<131072x128xf32, #tpu.memory_space<hbm>> -> memref<128x128xf32, #tpu.memory_space<hbm>>
    %dma_start3A_34 = tpu.memref_slice %arg9[%dma_start3A_27] : memref<4x!tpu.dma_semaphore, #tpu.memory_space<semaphore_mem>> -> memref<1x!tpu.dma_semaphore, #tpu.memory_space<semaphore_mem>>
    %dma_start3A_35 = tpu.memref_squeeze %dma_start3A_34 : memref<1x!tpu.dma_semaphore, #tpu.memory_space<semaphore_mem>> -> memref<!tpu.dma_semaphore, #tpu.memory_space<semaphore_mem>>
    %dma_start3A_36 = arith.constant 0 : i32
    %dma_start3A_37 = arith.constant 0 : i32
    %dma_start3A_38 = tpu.memref_slice %arg8[%dma_start3A_26, %dma_start3A_36, %dma_start3A_37] : memref<4x128x128xf32, #tpu.memory_space<vmem>> -> memref<1x128x128xf32, #tpu.memory_space<vmem>>
    %dma_start3A_39 = tpu.memref_squeeze %dma_start3A_38 : memref<1x128x128xf32, #tpu.memory_space<vmem>> -> memref<128x128xf32, #tpu.memory_space<vmem>>
    %dma_start3A_40 = arith.constant 0 : i32
    %dma_start3A_41 = tpu.memref_slice %arg2[%add3A_25, %dma_start3A_40] : memref<131072x128xf32, #tpu.memory_space<hbm>> -> memref<128x128xf32, #tpu.memory_space<hbm>>
    tpu.enqueue_dma source(%dma_start3A_41 : memref<128x128xf32, #tpu.memory_space<hbm>>) target(%dma_start3A_39 : memref<128x128xf32, #tpu.memory_space<vmem>>) target_semaphore(%dma_start3A_35 : memref<!tpu.dma_semaphore, #tpu.memory_space<semaphore_mem>>)
    %mul3A_42 = arith.constant 4 : i32
    %mul3A_43 = arith.muli %add3A, %mul3A_42 : i32
    "tpu.region"() ({
      %run_scoped3A = tpu.sem_alloc : memref<!tpu.dma_semaphore, #tpu.memory_space<semaphore_mem>>
      %dma_start3A_156 = arith.constant 0 : i32
      %dma_start3A_157 = tpu.memref_slice %arg3[%mul3A_43, %dma_start3A_156] : memref<128x128xi32, #tpu.memory_space<hbm>> -> memref<4x128xi32, #tpu.memory_space<hbm>>
      %dma_start3A_158 = arith.constant 0 : i32
      %dma_start3A_159 = tpu.memref_slice %arg3[%mul3A_43, %dma_start3A_158] : memref<128x128xi32, #tpu.memory_space<hbm>> -> memref<4x128xi32, #tpu.memory_space<hbm>>
      tpu.enqueue_dma source(%dma_start3A_159 : memref<4x128xi32, #tpu.memory_space<hbm>>) target(%arg6 : memref<4x128xi32, #tpu.memory_space<vmem>>) target_semaphore(%run_scoped3A : memref<!tpu.dma_semaphore, #tpu.memory_space<semaphore_mem>>)
      %dma_wait3A_160 = arith.constant 0 : i32
      %dma_wait3A_161 = tpu.memref_slice %arg3[%mul3A_43, %dma_wait3A_160] : memref<128x128xi32, #tpu.memory_space<hbm>> -> memref<4x128xi32, #tpu.memory_space<hbm>>
      %dma_wait3A_162 = arith.constant 0 : i32
      %dma_wait3A_163 = tpu.memref_slice %arg3[%mul3A_43, %dma_wait3A_162] : memref<128x128xi32, #tpu.memory_space<hbm>> -> memref<4x128xi32, #tpu.memory_space<hbm>>
      tpu.wait_dma2 semaphore(%run_scoped3A : memref<!tpu.dma_semaphore, #tpu.memory_space<semaphore_mem>>) src(%dma_wait3A_163 : memref<4x128xi32, #tpu.memory_space<hbm>>) dst(%arg6 : memref<4x128xi32, #tpu.memory_space<vmem>>)
      tpu.yield
    }) : () -> ()
    %scan3A = arith.constant 0 : i32
    %scan3A_44 = arith.constant 0 : i32
    %scan3A_45 = arith.constant 8 : i32
    %scan3A_46 = arith.addi %scan3A_44, %scan3A_45 : i32
    %scan3A_47 = arith.constant 1 : i32
    scf.for %scan3A_156 = %scan3A_44 to %scan3A_46 step %scan3A_47  : i32 {
      %mul3A_157 = arith.constant 4 : i32
      %mul3A_158 = arith.muli %scan3A_156, %mul3A_157 : i32
      %add3A_159 = arith.constant 0 : i32
      %add3A_160 = arith.addi %mul3A_158, %add3A_159 : i32
      %dma_wait3A_161 = arith.constant 0 : i32
      %dma_wait3A_162 = arith.constant 0 : i32
      %dma_wait3A_163 = arith.constant 0 : i32
      %dma_wait3A_164 = arith.constant 0 : i32
      %dma_wait3A_165 = tpu.memref_slice %arg8[%dma_wait3A_161, %dma_wait3A_163, %dma_wait3A_164] : memref<4x128x128xf32, #tpu.memory_space<vmem>> -> memref<1x128x128xf32, #tpu.memory_space<vmem>>
      %dma_wait3A_166 = tpu.memref_squeeze %dma_wait3A_165 : memref<1x128x128xf32, #tpu.memory_space<vmem>> -> memref<128x128xf32, #tpu.memory_space<vmem>>
      %dma_wait3A_167 = arith.constant 0 : i32
      %dma_wait3A_168 = arith.constant 0 : i32
      %dma_wait3A_169 = tpu.memref_slice %arg2[%dma_wait3A_167, %dma_wait3A_168] : memref<131072x128xf32, #tpu.memory_space<hbm>> -> memref<128x128xf32, #tpu.memory_space<hbm>>
      %dma_wait3A_170 = tpu.memref_slice %arg9[%dma_wait3A_162] : memref<4x!tpu.dma_semaphore, #tpu.memory_space<semaphore_mem>> -> memref<1x!tpu.dma_semaphore, #tpu.memory_space<semaphore_mem>>
      %dma_wait3A_171 = tpu.memref_squeeze %dma_wait3A_170 : memref<1x!tpu.dma_semaphore, #tpu.memory_space<semaphore_mem>> -> memref<!tpu.dma_semaphore, #tpu.memory_space<semaphore_mem>>
      %dma_wait3A_172 = arith.constant 0 : i32
      %dma_wait3A_173 = arith.constant 0 : i32
      %dma_wait3A_174 = tpu.memref_slice %arg8[%dma_wait3A_161, %dma_wait3A_172, %dma_wait3A_173] : memref<4x128x128xf32, #tpu.memory_space<vmem>> -> memref<1x128x128xf32, #tpu.memory_space<vmem>>
      %dma_wait3A_175 = tpu.memref_squeeze %dma_wait3A_174 : memref<1x128x128xf32, #tpu.memory_space<vmem>> -> memref<128x128xf32, #tpu.memory_space<vmem>>
      %dma_wait3A_176 = arith.constant 0 : i32
      %dma_wait3A_177 = arith.constant 0 : i32
      %dma_wait3A_178 = tpu.memref_slice %arg2[%dma_wait3A_176, %dma_wait3A_177] : memref<131072x128xf32, #tpu.memory_space<hbm>> -> memref<128x128xf32, #tpu.memory_space<hbm>>
      tpu.wait_dma2 semaphore(%dma_wait3A_171 : memref<!tpu.dma_semaphore, #tpu.memory_space<semaphore_mem>>) src(%dma_wait3A_178 : memref<128x128xf32, #tpu.memory_space<hbm>>) dst(%dma_wait3A_175 : memref<128x128xf32, #tpu.memory_space<vmem>>)
      %shift_right_logical3A_179 = arith.constant 3 : i32
      %shift_right_logical3A_180 = arith.shrui %add3A_160, %shift_right_logical3A_179 : i32
      %and3A_181 = arith.constant 7 : i32
      %and3A_182 = arith.andi %add3A_160, %and3A_181 : i32
      %mul3A_183 = arith.constant 16 : i32
      %mul3A_184 = arith.muli %and3A_182, %mul3A_183 : i32
      %get3A = arith.index_cast %shift_right_logical3A_180 : i32 to index
      %get3A_185 = arith.index_cast %mul3A_184 : i32 to index
      %get3A_186 = tpu.vector_load %arg6[%get3A, %get3A_185] {strides = array<i32>} : memref<4x128xi32, #tpu.memory_space<vmem>>, vector<1x16xi32>,
      %get3A_187 = vector.shape_cast %get3A_186 : vector<1x16xi32> to vector<16xi32>
      %add3A_188 = arith.constant 0 : i32
      %add3A_189 = vector.broadcast %add3A_188 : i32 to vector<16xi32>
      %add3A_190 = arith.addi %and3A_4, %add3A_189 : vector<16xi32>
      %add3A_191 = arith.constant 0 : i32
      %add3A_192 = vector.broadcast %add3A_191 : i32 to vector<16xi32>
      %add3A_193 = arith.addi %shift_right_logical3A_6, %add3A_192 : vector<16xi32>
      %broadcast_in_dim3A = vector.shape_cast %add3A_190 : vector<16xi32> to vector<16x1xi32>
      %gather3A = vector.shape_cast %broadcast_in_dim3A : vector<16x1xi32> to vector<16xi32>
      %gather3A_194 = tpu.dynamic_gather %get3A_187[%gather3A] in [0] : vector<16xi32>, vector<16xi32> -> vector<16xi32>
      %mul3A_195 = arith.constant 8 : i32
      %mul3A_196 = vector.broadcast %mul3A_195 : i32 to vector<16xi32>
      %mul3A_197 = arith.muli %gather3A_194, %mul3A_196 : vector<16xi32>
      %add3A_198 = arith.addi %mul3A_197, %add3A_193 : vector<16xi32>
      %swap3A = arith.constant 0 : i32
      %swap3A_199 = arith.index_cast %swap3A : i32 to index
      %swap3A_200 = arith.constant 0 : index
      %swap3A_201 = tpu.vector_load %arg7[%swap3A_199, %swap3A_200] {strides = array<i32>} : memref<4x128xi32, #tpu.memory_space<vmem>>, vector<1x16xi32>,
      %swap3A_202 = vector.shape_cast %swap3A_201 : vector<1x16xi32> to vector<16xi32>
      %swap3A_203 = vector.shape_cast %add3A_198 : vector<16xi32> to vector<1x16xi32>
      tpu.vector_store %arg7[%swap3A_199, %swap3A_200], %swap3A_203 {strides = array<i32>} : memref<4x128xi32, #tpu.memory_space<vmem>>, vector<1x16xi32>,
      %add3A_204 = arith.constant 0 : i32
      %add3A_205 = vector.broadcast %add3A_204 : i32 to vector<16xi32>
      %add3A_206 = arith.addi %and3A_4, %add3A_205 : vector<16xi32>
      %add3A_207 = arith.constant 4 : i32
      %add3A_208 = vector.broadcast %add3A_207 : i32 to vector<16xi32>
      %add3A_209 = arith.addi %shift_right_logical3A_6, %add3A_208 : vector<16xi32>
      %broadcast_in_dim3A_210 = vector.shape_cast %add3A_206 : vector<16xi32> to vector<16x1xi32>
      %gather3A_211 = vector.shape_cast %broadcast_in_dim3A_210 : vector<16x1xi32> to vector<16xi32>
      %gather3A_212 = tpu.dynamic_gather %get3A_187[%gather3A_211] in [0] : vector<16xi32>, vector<16xi32> -> vector<16xi32>
      %mul3A_213 = arith.constant 8 : i32
      %mul3A_214 = vector.broadcast %mul3A_213 : i32 to vector<16xi32>
      %mul3A_215 = arith.muli %gather3A_212, %mul3A_214 : vector<16xi32>
      %add3A_216 = arith.addi %mul3A_215, %add3A_209 : vector<16xi32>
      %swap3A_217 = arith.constant 0 : i32
      %swap3A_218 = arith.index_cast %swap3A_217 : i32 to index
      %swap3A_219 = arith.constant 16 : index
      %swap3A_220 = tpu.vector_load %arg7[%swap3A_218, %swap3A_219] {strides = array<i32>} : memref<4x128xi32, #tpu.memory_space<vmem>>, vector<1x16xi32>,
      %swap3A_221 = vector.shape_cast %swap3A_220 : vector<1x16xi32> to vector<16xi32>
      %swap3A_222 = vector.shape_cast %add3A_216 : vector<16xi32> to vector<1x16xi32>
      tpu.vector_store %arg7[%swap3A_218, %swap3A_219], %swap3A_222 {strides = array<i32>} : memref<4x128xi32, #tpu.memory_space<vmem>>, vector<1x16xi32>,
      %add3A_223 = arith.constant 4 : i32
      %add3A_224 = vector.broadcast %add3A_223 : i32 to vector<16xi32>
      %add3A_225 = arith.addi %and3A_4, %add3A_224 : vector<16xi32>
      %add3A_226 = arith.constant 0 : i32
      %add3A_227 = vector.broadcast %add3A_226 : i32 to vector<16xi32>
      %add3A_228 = arith.addi %shift_right_logical3A_6, %add3A_227 : vector<16xi32>
      %broadcast_in_dim3A_229 = vector.shape_cast %add3A_225 : vector<16xi32> to vector<16x1xi32>
      %gather3A_230 = vector.shape_cast %broadcast_in_dim3A_229 : vector<16x1xi32> to vector<16xi32>
      %gather3A_231 = tpu.dynamic_gather %get3A_187[%gather3A_230] in [0] : vector<16xi32>, vector<16xi32> -> vector<16xi32>
      %mul3A_232 = arith.constant 8 : i32
      %mul3A_233 = vector.broadcast %mul3A_232 : i32 to vector<16xi32>
      %mul3A_234 = arith.muli %gather3A_231, %mul3A_233 : vector<16xi32>
      %add3A_235 = arith.addi %mul3A_234, %add3A_228 : vector<16xi32>
      %swap3A_236 = arith.constant 0 : i32
      %swap3A_237 = arith.index_cast %swap3A_236 : i32 to index
      %swap3A_238 = arith.constant 32 : index
      %swap3A_239 = tpu.vector_load %arg7[%swap3A_237, %swap3A_238] {strides = array<i32>} : memref<4x128xi32, #tpu.memory_space<vmem>>, vector<1x16xi32>,
      %swap3A_240 = vector.shape_cast %swap3A_239 : vector<1x16xi32> to vector<16xi32>
      %swap3A_241 = vector.shape_cast %add3A_235 : vector<16xi32> to vector<1x16xi32>
      tpu.vector_store %arg7[%swap3A_237, %swap3A_238], %swap3A_241 {strides = array<i32>} : memref<4x128xi32, #tpu.memory_space<vmem>>, vector<1x16xi32>,
      %add3A_242 = arith.constant 4 : i32
      %add3A_243 = vector.broadcast %add3A_242 : i32 to vector<16xi32>
      %add3A_244 = arith.addi %and3A_4, %add3A_243 : vector<16xi32>
      %add3A_245 = arith.constant 4 : i32
      %add3A_246 = vector.broadcast %add3A_245 : i32 to vector<16xi32>
      %add3A_247 = arith.addi %shift_right_logical3A_6, %add3A_246 : vector<16xi32>
      %broadcast_in_dim3A_248 = vector.shape_cast %add3A_244 : vector<16xi32> to vector<16x1xi32>
      %gather3A_249 = vector.shape_cast %broadcast_in_dim3A_248 : vector<16x1xi32> to vector<16xi32>
      %gather3A_250 = tpu.dynamic_gather %get3A_187[%gather3A_249] in [0] : vector<16xi32>, vector<16xi32> -> vector<16xi32>
      %mul3A_251 = arith.constant 8 : i32
      %mul3A_252 = vector.broadcast %mul3A_251 : i32 to vector<16xi32>
      %mul3A_253 = arith.muli %gather3A_250, %mul3A_252 : vector<16xi32>
      %add3A_254 = arith.addi %mul3A_253, %add3A_247 : vector<16xi32>
      %swap3A_255 = arith.constant 0 : i32
      %swap3A_256 = arith.index_cast %swap3A_255 : i32 to index
      %swap3A_257 = arith.constant 48 : index
      %swap3A_258 = tpu.vector_load %arg7[%swap3A_256, %swap3A_257] {strides = array<i32>} : memref<4x128xi32, #tpu.memory_space<vmem>>, vector<1x16xi32>,
      %swap3A_259 = vector.shape_cast %swap3A_258 : vector<1x16xi32> to vector<16xi32>
      %swap3A_260 = vector.shape_cast %add3A_254 : vector<16xi32> to vector<1x16xi32>
      tpu.vector_store %arg7[%swap3A_256, %swap3A_257], %swap3A_260 {strides = array<i32>} : memref<4x128xi32, #tpu.memory_space<vmem>>, vector<1x16xi32>,
      %add3A_261 = arith.constant 8 : i32
      %add3A_262 = vector.broadcast %add3A_261 : i32 to vector<16xi32>
      %add3A_263 = arith.addi %and3A_4, %add3A_262 : vector<16xi32>
      %add3A_264 = arith.constant 0 : i32
      %add3A_265 = vector.broadcast %add3A_264 : i32 to vector<16xi32>
      %add3A_266 = arith.addi %shift_right_logical3A_6, %add3A_265 : vector<16xi32>
      %broadcast_in_dim3A_267 = vector.shape_cast %add3A_263 : vector<16xi32> to vector<16x1xi32>
      %gather3A_268 = vector.shape_cast %broadcast_in_dim3A_267 : vector<16x1xi32> to vector<16xi32>
      %gather3A_269 = tpu.dynamic_gather %get3A_187[%gather3A_268] in [0] : vector<16xi32>, vector<16xi32> -> vector<16xi32>
      %mul3A_270 = arith.constant 8 : i32
      %mul3A_271 = vector.broadcast %mul3A_270 : i32 to vector<16xi32>
      %mul3A_272 = arith.muli %gather3A_269, %mul3A_271 : vector<16xi32>
      %add3A_273 = arith.addi %mul3A_272, %add3A_266 : vector<16xi32>
      %swap3A_274 = arith.constant 0 : i32
      %swap3A_275 = arith.index_cast %swap3A_274 : i32 to index
      %swap3A_276 = arith.constant 64 : index
      %swap3A_277 = tpu.vector_load %arg7[%swap3A_275, %swap3A_276] {strides = array<i32>} : memref<4x128xi32, #tpu.memory_space<vmem>>, vector<1x16xi32>,
      %swap3A_278 = vector.shape_cast %swap3A_277 : vector<1x16xi32> to vector<16xi32>
      %swap3A_279 = vector.shape_cast %add3A_273 : vector<16xi32> to vector<1x16xi32>
      tpu.vector_store %arg7[%swap3A_275, %swap3A_276], %swap3A_279 {strides = array<i32>} : memref<4x128xi32, #tpu.memory_space<vmem>>, vector<1x16xi32>,
      %add3A_280 = arith.constant 8 : i32
      %add3A_281 = vector.broadcast %add3A_280 : i32 to vector<16xi32>
      %add3A_282 = arith.addi %and3A_4, %add3A_281 : vector<16xi32>
      %add3A_283 = arith.constant 4 : i32
      %add3A_284 = vector.broadcast %add3A_283 : i32 to vector<16xi32>
      %add3A_285 = arith.addi %shift_right_logical3A_6, %add3A_284 : vector<16xi32>
      %broadcast_in_dim3A_286 = vector.shape_cast %add3A_282 : vector<16xi32> to vector<16x1xi32>
      %gather3A_287 = vector.shape_cast %broadcast_in_dim3A_286 : vector<16x1xi32> to vector<16xi32>
      %gather3A_288 = tpu.dynamic_gather %get3A_187[%gather3A_287] in [0] : vector<16xi32>, vector<16xi32> -> vector<16xi32>
      %mul3A_289 = arith.constant 8 : i32
      %mul3A_290 = vector.broadcast %mul3A_289 : i32 to vector<16xi32>
      %mul3A_291 = arith.muli %gather3A_288, %mul3A_290 : vector<16xi32>
      %add3A_292 = arith.addi %mul3A_291, %add3A_285 : vector<16xi32>
      %swap3A_293 = arith.constant 0 : i32
      %swap3A_294 = arith.index_cast %swap3A_293 : i32 to index
      %swap3A_295 = arith.constant 80 : index
      %swap3A_296 = tpu.vector_load %arg7[%swap3A_294, %swap3A_295] {strides = array<i32>} : memref<4x128xi32, #tpu.memory_space<vmem>>, vector<1x16xi32>,
      %swap3A_297 = vector.shape_cast %swap3A_296 : vector<1x16xi32> to vector<16xi32>
      %swap3A_298 = vector.shape_cast %add3A_292 : vector<16xi32> to vector<1x16xi32>
      tpu.vector_store %arg7[%swap3A_294, %swap3A_295], %swap3A_298 {strides = array<i32>} : memref<4x128xi32, #tpu.memory_space<vmem>>, vector<1x16xi32>,
      %add3A_299 = arith.constant 12 : i32
      %add3A_300 = vector.broadcast %add3A_299 : i32 to vector<16xi32>
      %add3A_301 = arith.addi %and3A_4, %add3A_300 : vector<16xi32>
      %add3A_302 = arith.constant 0 : i32
      %add3A_303 = vector.broadcast %add3A_302 : i32 to vector<16xi32>
      %add3A_304 = arith.addi %shift_right_logical3A_6, %add3A_303 : vector<16xi32>
      %broadcast_in_dim3A_305 = vector.shape_cast %add3A_301 : vector<16xi32> to vector<16x1xi32>
      %gather3A_306 = vector.shape_cast %broadcast_in_dim3A_305 : vector<16x1xi32> to vector<16xi32>
      %gather3A_307 = tpu.dynamic_gather %get3A_187[%gather3A_306] in [0] : vector<16xi32>, vector<16xi32> -> vector<16xi32>
      %mul3A_308 = arith.constant 8 : i32
      %mul3A_309 = vector.broadcast %mul3A_308 : i32 to vector<16xi32>
      %mul3A_310 = arith.muli %gather3A_307, %mul3A_309 : vector<16xi32>
      %add3A_311 = arith.addi %mul3A_310, %add3A_304 : vector<16xi32>
      %swap3A_312 = arith.constant 0 : i32
      %swap3A_313 = arith.index_cast %swap3A_312 : i32 to index
      %swap3A_314 = arith.constant 96 : index
      %swap3A_315 = tpu.vector_load %arg7[%swap3A_313, %swap3A_314] {strides = array<i32>} : memref<4x128xi32, #tpu.memory_space<vmem>>, vector<1x16xi32>,
      %swap3A_316 = vector.shape_cast %swap3A_315 : vector<1x16xi32> to vector<16xi32>
      %swap3A_317 = vector.shape_cast %add3A_311 : vector<16xi32> to vector<1x16xi32>
      tpu.vector_store %arg7[%swap3A_313, %swap3A_314], %swap3A_317 {strides = array<i32>} : memref<4x128xi32, #tpu.memory_space<vmem>>, vector<1x16xi32>,
      %add3A_318 = arith.constant 12 : i32
      %add3A_319 = vector.broadcast %add3A_318 : i32 to vector<16xi32>
      %add3A_320 = arith.addi %and3A_4, %add3A_319 : vector<16xi32>
      %add3A_321 = arith.constant 4 : i32
      %add3A_322 = vector.broadcast %add3A_321 : i32 to vector<16xi32>
      %add3A_323 = arith.addi %shift_right_logical3A_6, %add3A_322 : vector<16xi32>
      %broadcast_in_dim3A_324 = vector.shape_cast %add3A_320 : vector<16xi32> to vector<16x1xi32>
      %gather3A_325 = vector.shape_cast %broadcast_in_dim3A_324 : vector<16x1xi32> to vector<16xi32>
      %gather3A_326 = tpu.dynamic_gather %get3A_187[%gather3A_325] in [0] : vector<16xi32>, vector<16xi32> -> vector<16xi32>
      %mul3A_327 = arith.constant 8 : i32
      %mul3A_328 = vector.broadcast %mul3A_327 : i32 to vector<16xi32>
      %mul3A_329 = arith.muli %gather3A_326, %mul3A_328 : vector<16xi32>
      %add3A_330 = arith.addi %mul3A_329, %add3A_323 : vector<16xi32>
      %swap3A_331 = arith.constant 0 : i32
      %swap3A_332 = arith.index_cast %swap3A_331 : i32 to index
      %swap3A_333 = arith.constant 112 : index
      %swap3A_334 = tpu.vector_load %arg7[%swap3A_332, %swap3A_333] {strides = array<i32>} : memref<4x128xi32, #tpu.memory_space<vmem>>, vector<1x16xi32>,
      %swap3A_335 = vector.shape_cast %swap3A_334 : vector<1x16xi32> to vector<16xi32>
      %swap3A_336 = vector.shape_cast %add3A_330 : vector<16xi32> to vector<1x16xi32>
      tpu.vector_store %arg7[%swap3A_332, %swap3A_333], %swap3A_336 {strides = array<i32>} : memref<4x128xi32, #tpu.memory_space<vmem>>, vector<1x16xi32>,
      %dma_start3A_337 = arith.constant 0 : i32
      %dma_start3A_338 = arith.constant 0 : i32
      %dma_start3A_339 = arith.constant 0 : i32
      %dma_start3A_340 = arith.constant 0 : i32
      %dma_start3A_341 = arith.constant 0 : i32
      %dma_start3A_342 = tpu.memref_slice %arg8[%dma_start3A_338, %dma_start3A_340, %dma_start3A_341] : memref<4x128x128xf32, #tpu.memory_space<vmem>> -> memref<1x128x128xf32, #tpu.memory_space<vmem>>
      %dma_start3A_343 = tpu.memref_squeeze %dma_start3A_342 : memref<1x128x128xf32, #tpu.memory_space<vmem>> -> memref<128x128xf32, #tpu.memory_space<vmem>>
      %dma_start3A_344 = arith.constant 0 : i32
      %dma_start3A_345 = tpu.memref_slice %arg7[%dma_start3A_337, %dma_start3A_344] : memref<4x128xi32, #tpu.memory_space<vmem>> -> memref<1x128xi32, #tpu.memory_space<vmem>>
      %dma_start3A_346 = tpu.memref_squeeze %dma_start3A_345 : memref<1x128xi32, #tpu.memory_space<vmem>> -> memref<128xi32, #tpu.memory_space<vmem>>
      %dma_start3A_347 = arith.constant 0 : i32
      %dma_start3A_348 = arith.constant 0 : i32
      %dma_start3A_349 = tpu.memref_slice %arg4[%dma_start3A_347, %dma_start3A_348] : memref<32768x128xf32, #tpu.memory_space<hbm>> -> memref<32768x128xf32, #tpu.memory_space<hbm>>
      %dma_start3A_350 = tpu.memref_slice %arg10[%dma_start3A_339] : memref<4x!tpu.dma_semaphore, #tpu.memory_space<semaphore_mem>> -> memref<1x!tpu.dma_semaphore, #tpu.memory_space<semaphore_mem>>
      %dma_start3A_351 = tpu.memref_squeeze %dma_start3A_350 : memref<1x!tpu.dma_semaphore, #tpu.memory_space<semaphore_mem>> -> memref<!tpu.dma_semaphore, #tpu.memory_space<semaphore_mem>>
      tpu.enqueue_indirect_dma source(%dma_start3A_349 : memref<32768x128xf32, #tpu.memory_space<hbm>>) target(%dma_start3A_343 : memref<128x128xf32, #tpu.memory_space<vmem>>) offsets(%dma_start3A_346 : memref<128xi32, #tpu.memory_space<vmem>>) semaphore(%dma_start3A_351 : memref<!tpu.dma_semaphore, #tpu.memory_space<semaphore_mem>>) {add = true}
      %add3A_352 = arith.constant 4 : i32
      %add3A_353 = arith.addi %add3A_160, %add3A_352 : i32
      %sub3A = arith.constant 2 : i32
      %sub3A_354 = arith.subi %add3A_353, %sub3A : i32
      %lt3A = arith.constant 32 : i32
      %lt3A_355 = arith.cmpi slt, %sub3A_354, %lt3A : i32
      %convert_element_type3A = arith.extui %lt3A_355 : i1 to i32
      %cond3A = arith.constant 0 : i32
      %cond3A_356 = arith.cmpi ne, %convert_element_type3A, %cond3A : i32
      scf.if %cond3A_356 {
        %ge3A_1000 = arith.constant 4 : i32
        %ge3A_1001 = arith.cmpi sge, %sub3A_354, %ge3A_1000 : i32
        %convert_element_type3A_1002 = arith.extui %ge3A_1001 : i1 to i32
        %cond3A_1003 = arith.constant 0 : i32
        %cond3A_1004 = arith.cmpi ne, %convert_element_type3A_1002, %cond3A_1003 : i32
        scf.if %cond3A_1004 {
          %dma_wait3A_1024 = arith.constant 2 : i32
          %dma_wait3A_1025 = arith.constant 2 : i32
          %dma_wait3A_1026 = arith.constant 0 : i32
          %dma_wait3A_1027 = arith.constant 0 : i32
          %dma_wait3A_1028 = tpu.memref_slice %arg8[%dma_wait3A_1024, %dma_wait3A_1026, %dma_wait3A_1027] : memref<4x128x128xf32, #tpu.memory_space<vmem>> -> memref<1x128x128xf32, #tpu.memory_space<vmem>>
          %dma_wait3A_1029 = tpu.memref_squeeze %dma_wait3A_1028 : memref<1x128x128xf32, #tpu.memory_space<vmem>> -> memref<128x128xf32, #tpu.memory_space<vmem>>
          %dma_wait3A_1030 = arith.constant 0 : i32
          %dma_wait3A_1031 = arith.constant 0 : i32
          %dma_wait3A_1032 = tpu.memref_slice %arg5[%dma_wait3A_1030, %dma_wait3A_1031] : memref<131072x128xf32, #tpu.memory_space<hbm>> -> memref<128x128xf32, #tpu.memory_space<hbm>>
          %dma_wait3A_1033 = tpu.memref_slice %arg11[%dma_wait3A_1025] : memref<4x!tpu.dma_semaphore, #tpu.memory_space<semaphore_mem>> -> memref<1x!tpu.dma_semaphore, #tpu.memory_space<semaphore_mem>>
          %dma_wait3A_1034 = tpu.memref_squeeze %dma_wait3A_1033 : memref<1x!tpu.dma_semaphore, #tpu.memory_space<semaphore_mem>> -> memref<!tpu.dma_semaphore, #tpu.memory_space<semaphore_mem>>
          %dma_wait3A_1035 = arith.constant 0 : i32
          %dma_wait3A_1036 = arith.constant 0 : i32
          %dma_wait3A_1037 = tpu.memref_slice %arg5[%dma_wait3A_1035, %dma_wait3A_1036] : memref<131072x128xf32, #tpu.memory_space<hbm>> -> memref<128x128xf32, #tpu.memory_space<hbm>>
          %dma_wait3A_1038 = arith.constant 0 : i32
          %dma_wait3A_1039 = arith.constant 0 : i32
          %dma_wait3A_1040 = tpu.memref_slice %arg8[%dma_wait3A_1024, %dma_wait3A_1038, %dma_wait3A_1039] : memref<4x128x128xf32, #tpu.memory_space<vmem>> -> memref<1x128x128xf32, #tpu.memory_space<vmem>>
          %dma_wait3A_1041 = tpu.memref_squeeze %dma_wait3A_1040 : memref<1x128x128xf32, #tpu.memory_space<vmem>> -> memref<128x128xf32, #tpu.memory_space<vmem>>
          tpu.wait_dma2 semaphore(%dma_wait3A_1034 : memref<!tpu.dma_semaphore, #tpu.memory_space<semaphore_mem>>) src(%dma_wait3A_1041 : memref<128x128xf32, #tpu.memory_space<vmem>>) dst(%dma_wait3A_1037 : memref<128x128xf32, #tpu.memory_space<hbm>>)
        } else {
        }
        %mul3A_1005 = arith.constant 128 : i32
        %mul3A_1006 = arith.muli %sub3A_354, %mul3A_1005 : i32
        %add3A_1007 = arith.addi %mul3A_2, %mul3A_1006 : i32
        %dma_start3A_1008 = arith.constant 2 : i32
        %dma_start3A_1009 = arith.constant 2 : i32
        %dma_start3A_1010 = arith.constant 0 : i32
        %dma_start3A_1011 = arith.constant 0 : i32
        %dma_start3A_1012 = tpu.memref_slice %arg8[%dma_start3A_1008, %dma_start3A_1010, %dma_start3A_1011] : memref<4x128x128xf32, #tpu.memory_space<vmem>> -> memref<1x128x128xf32, #tpu.memory_space<vmem>>
        %dma_start3A_1013 = tpu.memref_squeeze %dma_start3A_1012 : memref<1x128x128xf32, #tpu.memory_space<vmem>> -> memref<128x128xf32, #tpu.memory_space<vmem>>
        %dma_start3A_1014 = arith.constant 0 : i32
        %dma_start3A_1015 = tpu.memref_slice %arg2[%add3A_1007, %dma_start3A_1014] : memref<131072x128xf32, #tpu.memory_space<hbm>> -> memref<128x128xf32, #tpu.memory_space<hbm>>
        %dma_start3A_1016 = tpu.memref_slice %arg9[%dma_start3A_1009] : memref<4x!tpu.dma_semaphore, #tpu.memory_space<semaphore_mem>> -> memref<1x!tpu.dma_semaphore, #tpu.memory_space<semaphore_mem>>
        %dma_start3A_1017 = tpu.memref_squeeze %dma_start3A_1016 : memref<1x!tpu.dma_semaphore, #tpu.memory_space<semaphore_mem>> -> memref<!tpu.dma_semaphore, #tpu.memory_space<semaphore_mem>>
        %dma_start3A_1018 = arith.constant 0 : i32
        %dma_start3A_1019 = arith.constant 0 : i32
        %dma_start3A_1020 = tpu.memref_slice %arg8[%dma_start3A_1008, %dma_start3A_1018, %dma_start3A_1019] : memref<4x128x128xf32, #tpu.memory_space<vmem>> -> memref<1x128x128xf32, #tpu.memory_space<vmem>>
        %dma_start3A_1021 = tpu.memref_squeeze %dma_start3A_1020 : memref<1x128x128xf32, #tpu.memory_space<vmem>> -> memref<128x128xf32, #tpu.memory_space<vmem>>
        %dma_start3A_1022 = arith.constant 0 : i32
        %dma_start3A_1023 = tpu.memref_slice %arg2[%add3A_1007, %dma_start3A_1022] : memref<131072x128xf32, #tpu.memory_space<hbm>> -> memref<128x128xf32, #tpu.memory_space<hbm>>
        tpu.enqueue_dma source(%dma_start3A_1023 : memref<128x128xf32, #tpu.memory_space<hbm>>) target(%dma_start3A_1021 : memref<128x128xf32, #tpu.memory_space<vmem>>) target_semaphore(%dma_start3A_1017 : memref<!tpu.dma_semaphore, #tpu.memory_space<semaphore_mem>>)
      } else {
      }
      %ge3A = arith.constant 1 : i32
      %ge3A_357 = arith.cmpi sge, %add3A_160, %ge3A : i32
      %convert_element_type3A_358 = arith.extui %ge3A_357 : i1 to i32
      %cond3A_359 = arith.constant 0 : i32
      %cond3A_360 = arith.cmpi ne, %convert_element_type3A_358, %cond3A_359 : i32
      scf.if %cond3A_360 {
        %dma_wait3A_1000 = arith.constant 3 : i32
        %dma_wait3A_1001 = arith.constant 3 : i32
        %dma_wait3A_1002 = arith.constant 0 : i32
        %dma_wait3A_1003 = arith.constant 0 : i32
        %dma_wait3A_1004 = tpu.memref_slice %arg8[%dma_wait3A_1000, %dma_wait3A_1002, %dma_wait3A_1003] : memref<4x128x128xf32, #tpu.memory_space<vmem>> -> memref<1x128x128xf32, #tpu.memory_space<vmem>>
        %dma_wait3A_1005 = tpu.memref_squeeze %dma_wait3A_1004 : memref<1x128x128xf32, #tpu.memory_space<vmem>> -> memref<128x128xf32, #tpu.memory_space<vmem>>
        %dma_wait3A_1006 = arith.constant 0 : i32
        %dma_wait3A_1007 = arith.constant 0 : i32
        %dma_wait3A_1008 = tpu.memref_slice %arg2[%dma_wait3A_1006, %dma_wait3A_1007] : memref<131072x128xf32, #tpu.memory_space<hbm>> -> memref<128x128xf32, #tpu.memory_space<hbm>>
        %dma_wait3A_1009 = tpu.memref_slice %arg10[%dma_wait3A_1001] : memref<4x!tpu.dma_semaphore, #tpu.memory_space<semaphore_mem>> -> memref<1x!tpu.dma_semaphore, #tpu.memory_space<semaphore_mem>>
        %dma_wait3A_1010 = tpu.memref_squeeze %dma_wait3A_1009 : memref<1x!tpu.dma_semaphore, #tpu.memory_space<semaphore_mem>> -> memref<!tpu.dma_semaphore, #tpu.memory_space<semaphore_mem>>
        %dma_wait3A_1011 = arith.constant 0 : i32
        %dma_wait3A_1012 = arith.constant 0 : i32
        %dma_wait3A_1013 = tpu.memref_slice %arg8[%dma_wait3A_1000, %dma_wait3A_1011, %dma_wait3A_1012] : memref<4x128x128xf32, #tpu.memory_space<vmem>> -> memref<1x128x128xf32, #tpu.memory_space<vmem>>
        %dma_wait3A_1014 = tpu.memref_squeeze %dma_wait3A_1013 : memref<1x128x128xf32, #tpu.memory_space<vmem>> -> memref<128x128xf32, #tpu.memory_space<vmem>>
        %dma_wait3A_1015 = arith.constant 0 : i32
        %dma_wait3A_1016 = arith.constant 0 : i32
        %dma_wait3A_1017 = tpu.memref_slice %arg2[%dma_wait3A_1015, %dma_wait3A_1016] : memref<131072x128xf32, #tpu.memory_space<hbm>> -> memref<128x128xf32, #tpu.memory_space<hbm>>
        tpu.wait_dma2 semaphore(%dma_wait3A_1010 : memref<!tpu.dma_semaphore, #tpu.memory_space<semaphore_mem>>) src(%dma_wait3A_1017 : memref<128x128xf32, #tpu.memory_space<hbm>>) dst(%dma_wait3A_1014 : memref<128x128xf32, #tpu.memory_space<vmem>>)
        %sub3A_1018 = arith.constant 1 : i32
        %sub3A_1019 = arith.subi %add3A_160, %sub3A_1018 : i32
        %mul3A_1020 = arith.constant 128 : i32
        %mul3A_1021 = arith.muli %sub3A_1019, %mul3A_1020 : i32
        %add3A_1022 = arith.addi %mul3A_2, %mul3A_1021 : i32
        %dma_start3A_1023 = arith.constant 3 : i32
        %dma_start3A_1024 = arith.constant 3 : i32
        %dma_start3A_1025 = arith.constant 0 : i32
        %dma_start3A_1026 = arith.constant 0 : i32
        %dma_start3A_1027 = tpu.memref_slice %arg8[%dma_start3A_1023, %dma_start3A_1025, %dma_start3A_1026] : memref<4x128x128xf32, #tpu.memory_space<vmem>> -> memref<1x128x128xf32, #tpu.memory_space<vmem>>
        %dma_start3A_1028 = tpu.memref_squeeze %dma_start3A_1027 : memref<1x128x128xf32, #tpu.memory_space<vmem>> -> memref<128x128xf32, #tpu.memory_space<vmem>>
        %dma_start3A_1029 = arith.constant 0 : i32
        %dma_start3A_1030 = tpu.memref_slice %arg5[%add3A_1022, %dma_start3A_1029] : memref<131072x128xf32, #tpu.memory_space<hbm>> -> memref<128x128xf32, #tpu.memory_space<hbm>>
        %dma_start3A_1031 = tpu.memref_slice %arg11[%dma_start3A_1024] : memref<4x!tpu.dma_semaphore, #tpu.memory_space<semaphore_mem>> -> memref<1x!tpu.dma_semaphore, #tpu.memory_space<semaphore_mem>>
        %dma_start3A_1032 = tpu.memref_squeeze %dma_start3A_1031 : memref<1x!tpu.dma_semaphore, #tpu.memory_space<semaphore_mem>> -> memref<!tpu.dma_semaphore, #tpu.memory_space<semaphore_mem>>
        %dma_start3A_1033 = arith.constant 0 : i32
        %dma_start3A_1034 = tpu.memref_slice %arg5[%add3A_1022, %dma_start3A_1033] : memref<131072x128xf32, #tpu.memory_space<hbm>> -> memref<128x128xf32, #tpu.memory_space<hbm>>
        %dma_start3A_1035 = arith.constant 0 : i32
        %dma_start3A_1036 = arith.constant 0 : i32
        %dma_start3A_1037 = tpu.memref_slice %arg8[%dma_start3A_1023, %dma_start3A_1035, %dma_start3A_1036] : memref<4x128x128xf32, #tpu.memory_space<vmem>> -> memref<1x128x128xf32, #tpu.memory_space<vmem>>
        %dma_start3A_1038 = tpu.memref_squeeze %dma_start3A_1037 : memref<1x128x128xf32, #tpu.memory_space<vmem>> -> memref<128x128xf32, #tpu.memory_space<vmem>>
        tpu.enqueue_dma source(%dma_start3A_1038 : memref<128x128xf32, #tpu.memory_space<vmem>>) target(%dma_start3A_1034 : memref<128x128xf32, #tpu.memory_space<hbm>>) target_semaphore(%dma_start3A_1032 : memref<!tpu.dma_semaphore, #tpu.memory_space<semaphore_mem>>)
      } else {
      }
      %mul3A_361 = arith.constant 4 : i32
      %mul3A_362 = arith.muli %scan3A_156, %mul3A_361 : i32
      %add3A_363 = arith.constant 1 : i32
      %add3A_364 = arith.addi %mul3A_362, %add3A_363 : i32
      %dma_wait3A_365 = arith.constant 1 : i32
      %dma_wait3A_366 = arith.constant 1 : i32
      %dma_wait3A_367 = arith.constant 0 : i32
      %dma_wait3A_368 = arith.constant 0 : i32
      %dma_wait3A_369 = tpu.memref_slice %arg8[%dma_wait3A_365, %dma_wait3A_367, %dma_wait3A_368] : memref<4x128x128xf32, #tpu.memory_space<vmem>> -> memref<1x128x128xf32, #tpu.memory_space<vmem>>
      %dma_wait3A_370 = tpu.memref_squeeze %dma_wait3A_369 : memref<1x128x128xf32, #tpu.memory_space<vmem>> -> memref<128x128xf32, #tpu.memory_space<vmem>>
      %dma_wait3A_371 = arith.constant 0 : i32
      %dma_wait3A_372 = arith.constant 0 : i32
      %dma_wait3A_373 = tpu.memref_slice %arg2[%dma_wait3A_371, %dma_wait3A_372] : memref<131072x128xf32, #tpu.memory_space<hbm>> -> memref<128x128xf32, #tpu.memory_space<hbm>>
      %dma_wait3A_374 = tpu.memref_slice %arg9[%dma_wait3A_366] : memref<4x!tpu.dma_semaphore, #tpu.memory_space<semaphore_mem>> -> memref<1x!tpu.dma_semaphore, #tpu.memory_space<semaphore_mem>>
      %dma_wait3A_375 = tpu.memref_squeeze %dma_wait3A_374 : memref<1x!tpu.dma_semaphore, #tpu.memory_space<semaphore_mem>> -> memref<!tpu.dma_semaphore, #tpu.memory_space<semaphore_mem>>
      %dma_wait3A_376 = arith.constant 0 : i32
      %dma_wait3A_377 = arith.constant 0 : i32
      %dma_wait3A_378 = tpu.memref_slice %arg8[%dma_wait3A_365, %dma_wait3A_376, %dma_wait3A_377] : memref<4x128x128xf32, #tpu.memory_space<vmem>> -> memref<1x128x128xf32, #tpu.memory_space<vmem>>
      %dma_wait3A_379 = tpu.memref_squeeze %dma_wait3A_378 : memref<1x128x128xf32, #tpu.memory_space<vmem>> -> memref<128x128xf32, #tpu.memory_space<vmem>>
      %dma_wait3A_380 = arith.constant 0 : i32
      %dma_wait3A_381 = arith.constant 0 : i32
      %dma_wait3A_382 = tpu.memref_slice %arg2[%dma_wait3A_380, %dma_wait3A_381] : memref<131072x128xf32, #tpu.memory_space<hbm>> -> memref<128x128xf32, #tpu.memory_space<hbm>>
      tpu.wait_dma2 semaphore(%dma_wait3A_375 : memref<!tpu.dma_semaphore, #tpu.memory_space<semaphore_mem>>) src(%dma_wait3A_382 : memref<128x128xf32, #tpu.memory_space<hbm>>) dst(%dma_wait3A_379 : memref<128x128xf32, #tpu.memory_space<vmem>>)
      %shift_right_logical3A_383 = arith.constant 3 : i32
      %shift_right_logical3A_384 = arith.shrui %add3A_364, %shift_right_logical3A_383 : i32
      %and3A_385 = arith.constant 7 : i32
      %and3A_386 = arith.andi %add3A_364, %and3A_385 : i32
      %mul3A_387 = arith.constant 16 : i32
      %mul3A_388 = arith.muli %and3A_386, %mul3A_387 : i32
      %get3A_389 = arith.index_cast %shift_right_logical3A_384 : i32 to index
      %get3A_390 = arith.index_cast %mul3A_388 : i32 to index
      %get3A_391 = tpu.vector_load %arg6[%get3A_389, %get3A_390] {strides = array<i32>} : memref<4x128xi32, #tpu.memory_space<vmem>>, vector<1x16xi32>,
      %get3A_392 = vector.shape_cast %get3A_391 : vector<1x16xi32> to vector<16xi32>
      %add3A_393 = arith.constant 0 : i32
      %add3A_394 = vector.broadcast %add3A_393 : i32 to vector<16xi32>
      %add3A_395 = arith.addi %and3A_4, %add3A_394 : vector<16xi32>
      %add3A_396 = arith.constant 0 : i32
      %add3A_397 = vector.broadcast %add3A_396 : i32 to vector<16xi32>
      %add3A_398 = arith.addi %shift_right_logical3A_6, %add3A_397 : vector<16xi32>
      %broadcast_in_dim3A_399 = vector.shape_cast %add3A_395 : vector<16xi32> to vector<16x1xi32>
      %gather3A_400 = vector.shape_cast %broadcast_in_dim3A_399 : vector<16x1xi32> to vector<16xi32>
      %gather3A_401 = tpu.dynamic_gather %get3A_392[%gather3A_400] in [0] : vector<16xi32>, vector<16xi32> -> vector<16xi32>
      %mul3A_402 = arith.constant 8 : i32
      %mul3A_403 = vector.broadcast %mul3A_402 : i32 to vector<16xi32>
      %mul3A_404 = arith.muli %gather3A_401, %mul3A_403 : vector<16xi32>
      %add3A_405 = arith.addi %mul3A_404, %add3A_398 : vector<16xi32>
      %swap3A_406 = arith.constant 1 : i32
      %swap3A_407 = arith.index_cast %swap3A_406 : i32 to index
      %swap3A_408 = arith.constant 0 : index
      %swap3A_409 = tpu.vector_load %arg7[%swap3A_407, %swap3A_408] {strides = array<i32>} : memref<4x128xi32, #tpu.memory_space<vmem>>, vector<1x16xi32>,
      %swap3A_410 = vector.shape_cast %swap3A_409 : vector<1x16xi32> to vector<16xi32>
      %swap3A_411 = vector.shape_cast %add3A_405 : vector<16xi32> to vector<1x16xi32>
      tpu.vector_store %arg7[%swap3A_407, %swap3A_408], %swap3A_411 {strides = array<i32>} : memref<4x128xi32, #tpu.memory_space<vmem>>, vector<1x16xi32>,
      %add3A_412 = arith.constant 0 : i32
      %add3A_413 = vector.broadcast %add3A_412 : i32 to vector<16xi32>
      %add3A_414 = arith.addi %and3A_4, %add3A_413 : vector<16xi32>
      %add3A_415 = arith.constant 4 : i32
      %add3A_416 = vector.broadcast %add3A_415 : i32 to vector<16xi32>
      %add3A_417 = arith.addi %shift_right_logical3A_6, %add3A_416 : vector<16xi32>
      %broadcast_in_dim3A_418 = vector.shape_cast %add3A_414 : vector<16xi32> to vector<16x1xi32>
      %gather3A_419 = vector.shape_cast %broadcast_in_dim3A_418 : vector<16x1xi32> to vector<16xi32>
      %gather3A_420 = tpu.dynamic_gather %get3A_392[%gather3A_419] in [0] : vector<16xi32>, vector<16xi32> -> vector<16xi32>
      %mul3A_421 = arith.constant 8 : i32
      %mul3A_422 = vector.broadcast %mul3A_421 : i32 to vector<16xi32>
      %mul3A_423 = arith.muli %gather3A_420, %mul3A_422 : vector<16xi32>
      %add3A_424 = arith.addi %mul3A_423, %add3A_417 : vector<16xi32>
      %swap3A_425 = arith.constant 1 : i32
      %swap3A_426 = arith.index_cast %swap3A_425 : i32 to index
      %swap3A_427 = arith.constant 16 : index
      %swap3A_428 = tpu.vector_load %arg7[%swap3A_426, %swap3A_427] {strides = array<i32>} : memref<4x128xi32, #tpu.memory_space<vmem>>, vector<1x16xi32>,
      %swap3A_429 = vector.shape_cast %swap3A_428 : vector<1x16xi32> to vector<16xi32>
      %swap3A_430 = vector.shape_cast %add3A_424 : vector<16xi32> to vector<1x16xi32>
      tpu.vector_store %arg7[%swap3A_426, %swap3A_427], %swap3A_430 {strides = array<i32>} : memref<4x128xi32, #tpu.memory_space<vmem>>, vector<1x16xi32>,
      %add3A_431 = arith.constant 4 : i32
      %add3A_432 = vector.broadcast %add3A_431 : i32 to vector<16xi32>
      %add3A_433 = arith.addi %and3A_4, %add3A_432 : vector<16xi32>
      %add3A_434 = arith.constant 0 : i32
      %add3A_435 = vector.broadcast %add3A_434 : i32 to vector<16xi32>
      %add3A_436 = arith.addi %shift_right_logical3A_6, %add3A_435 : vector<16xi32>
      %broadcast_in_dim3A_437 = vector.shape_cast %add3A_433 : vector<16xi32> to vector<16x1xi32>
      %gather3A_438 = vector.shape_cast %broadcast_in_dim3A_437 : vector<16x1xi32> to vector<16xi32>
      %gather3A_439 = tpu.dynamic_gather %get3A_392[%gather3A_438] in [0] : vector<16xi32>, vector<16xi32> -> vector<16xi32>
      %mul3A_440 = arith.constant 8 : i32
      %mul3A_441 = vector.broadcast %mul3A_440 : i32 to vector<16xi32>
      %mul3A_442 = arith.muli %gather3A_439, %mul3A_441 : vector<16xi32>
      %add3A_443 = arith.addi %mul3A_442, %add3A_436 : vector<16xi32>
      %swap3A_444 = arith.constant 1 : i32
      %swap3A_445 = arith.index_cast %swap3A_444 : i32 to index
      %swap3A_446 = arith.constant 32 : index
      %swap3A_447 = tpu.vector_load %arg7[%swap3A_445, %swap3A_446] {strides = array<i32>} : memref<4x128xi32, #tpu.memory_space<vmem>>, vector<1x16xi32>,
      %swap3A_448 = vector.shape_cast %swap3A_447 : vector<1x16xi32> to vector<16xi32>
      %swap3A_449 = vector.shape_cast %add3A_443 : vector<16xi32> to vector<1x16xi32>
      tpu.vector_store %arg7[%swap3A_445, %swap3A_446], %swap3A_449 {strides = array<i32>} : memref<4x128xi32, #tpu.memory_space<vmem>>, vector<1x16xi32>,
      %add3A_450 = arith.constant 4 : i32
      %add3A_451 = vector.broadcast %add3A_450 : i32 to vector<16xi32>
      %add3A_452 = arith.addi %and3A_4, %add3A_451 : vector<16xi32>
      %add3A_453 = arith.constant 4 : i32
      %add3A_454 = vector.broadcast %add3A_453 : i32 to vector<16xi32>
      %add3A_455 = arith.addi %shift_right_logical3A_6, %add3A_454 : vector<16xi32>
      %broadcast_in_dim3A_456 = vector.shape_cast %add3A_452 : vector<16xi32> to vector<16x1xi32>
      %gather3A_457 = vector.shape_cast %broadcast_in_dim3A_456 : vector<16x1xi32> to vector<16xi32>
      %gather3A_458 = tpu.dynamic_gather %get3A_392[%gather3A_457] in [0] : vector<16xi32>, vector<16xi32> -> vector<16xi32>
      %mul3A_459 = arith.constant 8 : i32
      %mul3A_460 = vector.broadcast %mul3A_459 : i32 to vector<16xi32>
      %mul3A_461 = arith.muli %gather3A_458, %mul3A_460 : vector<16xi32>
      %add3A_462 = arith.addi %mul3A_461, %add3A_455 : vector<16xi32>
      %swap3A_463 = arith.constant 1 : i32
      %swap3A_464 = arith.index_cast %swap3A_463 : i32 to index
      %swap3A_465 = arith.constant 48 : index
      %swap3A_466 = tpu.vector_load %arg7[%swap3A_464, %swap3A_465] {strides = array<i32>} : memref<4x128xi32, #tpu.memory_space<vmem>>, vector<1x16xi32>,
      %swap3A_467 = vector.shape_cast %swap3A_466 : vector<1x16xi32> to vector<16xi32>
      %swap3A_468 = vector.shape_cast %add3A_462 : vector<16xi32> to vector<1x16xi32>
      tpu.vector_store %arg7[%swap3A_464, %swap3A_465], %swap3A_468 {strides = array<i32>} : memref<4x128xi32, #tpu.memory_space<vmem>>, vector<1x16xi32>,
      %add3A_469 = arith.constant 8 : i32
      %add3A_470 = vector.broadcast %add3A_469 : i32 to vector<16xi32>
      %add3A_471 = arith.addi %and3A_4, %add3A_470 : vector<16xi32>
      %add3A_472 = arith.constant 0 : i32
      %add3A_473 = vector.broadcast %add3A_472 : i32 to vector<16xi32>
      %add3A_474 = arith.addi %shift_right_logical3A_6, %add3A_473 : vector<16xi32>
      %broadcast_in_dim3A_475 = vector.shape_cast %add3A_471 : vector<16xi32> to vector<16x1xi32>
      %gather3A_476 = vector.shape_cast %broadcast_in_dim3A_475 : vector<16x1xi32> to vector<16xi32>
      %gather3A_477 = tpu.dynamic_gather %get3A_392[%gather3A_476] in [0] : vector<16xi32>, vector<16xi32> -> vector<16xi32>
      %mul3A_478 = arith.constant 8 : i32
      %mul3A_479 = vector.broadcast %mul3A_478 : i32 to vector<16xi32>
      %mul3A_480 = arith.muli %gather3A_477, %mul3A_479 : vector<16xi32>
      %add3A_481 = arith.addi %mul3A_480, %add3A_474 : vector<16xi32>
      %swap3A_482 = arith.constant 1 : i32
      %swap3A_483 = arith.index_cast %swap3A_482 : i32 to index
      %swap3A_484 = arith.constant 64 : index
      %swap3A_485 = tpu.vector_load %arg7[%swap3A_483, %swap3A_484] {strides = array<i32>} : memref<4x128xi32, #tpu.memory_space<vmem>>, vector<1x16xi32>,
      %swap3A_486 = vector.shape_cast %swap3A_485 : vector<1x16xi32> to vector<16xi32>
      %swap3A_487 = vector.shape_cast %add3A_481 : vector<16xi32> to vector<1x16xi32>
      tpu.vector_store %arg7[%swap3A_483, %swap3A_484], %swap3A_487 {strides = array<i32>} : memref<4x128xi32, #tpu.memory_space<vmem>>, vector<1x16xi32>,
      %add3A_488 = arith.constant 8 : i32
      %add3A_489 = vector.broadcast %add3A_488 : i32 to vector<16xi32>
      %add3A_490 = arith.addi %and3A_4, %add3A_489 : vector<16xi32>
      %add3A_491 = arith.constant 4 : i32
      %add3A_492 = vector.broadcast %add3A_491 : i32 to vector<16xi32>
      %add3A_493 = arith.addi %shift_right_logical3A_6, %add3A_492 : vector<16xi32>
      %broadcast_in_dim3A_494 = vector.shape_cast %add3A_490 : vector<16xi32> to vector<16x1xi32>
      %gather3A_495 = vector.shape_cast %broadcast_in_dim3A_494 : vector<16x1xi32> to vector<16xi32>
      %gather3A_496 = tpu.dynamic_gather %get3A_392[%gather3A_495] in [0] : vector<16xi32>, vector<16xi32> -> vector<16xi32>
      %mul3A_497 = arith.constant 8 : i32
      %mul3A_498 = vector.broadcast %mul3A_497 : i32 to vector<16xi32>
      %mul3A_499 = arith.muli %gather3A_496, %mul3A_498 : vector<16xi32>
      %add3A_500 = arith.addi %mul3A_499, %add3A_493 : vector<16xi32>
      %swap3A_501 = arith.constant 1 : i32
      %swap3A_502 = arith.index_cast %swap3A_501 : i32 to index
      %swap3A_503 = arith.constant 80 : index
      %swap3A_504 = tpu.vector_load %arg7[%swap3A_502, %swap3A_503] {strides = array<i32>} : memref<4x128xi32, #tpu.memory_space<vmem>>, vector<1x16xi32>,
      %swap3A_505 = vector.shape_cast %swap3A_504 : vector<1x16xi32> to vector<16xi32>
      %swap3A_506 = vector.shape_cast %add3A_500 : vector<16xi32> to vector<1x16xi32>
      tpu.vector_store %arg7[%swap3A_502, %swap3A_503], %swap3A_506 {strides = array<i32>} : memref<4x128xi32, #tpu.memory_space<vmem>>, vector<1x16xi32>,
      %add3A_507 = arith.constant 12 : i32
      %add3A_508 = vector.broadcast %add3A_507 : i32 to vector<16xi32>
      %add3A_509 = arith.addi %and3A_4, %add3A_508 : vector<16xi32>
      %add3A_510 = arith.constant 0 : i32
      %add3A_511 = vector.broadcast %add3A_510 : i32 to vector<16xi32>
      %add3A_512 = arith.addi %shift_right_logical3A_6, %add3A_511 : vector<16xi32>
      %broadcast_in_dim3A_513 = vector.shape_cast %add3A_509 : vector<16xi32> to vector<16x1xi32>
      %gather3A_514 = vector.shape_cast %broadcast_in_dim3A_513 : vector<16x1xi32> to vector<16xi32>
      %gather3A_515 = tpu.dynamic_gather %get3A_392[%gather3A_514] in [0] : vector<16xi32>, vector<16xi32> -> vector<16xi32>
      %mul3A_516 = arith.constant 8 : i32
      %mul3A_517 = vector.broadcast %mul3A_516 : i32 to vector<16xi32>
      %mul3A_518 = arith.muli %gather3A_515, %mul3A_517 : vector<16xi32>
      %add3A_519 = arith.addi %mul3A_518, %add3A_512 : vector<16xi32>
      %swap3A_520 = arith.constant 1 : i32
      %swap3A_521 = arith.index_cast %swap3A_520 : i32 to index
      %swap3A_522 = arith.constant 96 : index
      %swap3A_523 = tpu.vector_load %arg7[%swap3A_521, %swap3A_522] {strides = array<i32>} : memref<4x128xi32, #tpu.memory_space<vmem>>, vector<1x16xi32>,
      %swap3A_524 = vector.shape_cast %swap3A_523 : vector<1x16xi32> to vector<16xi32>
      %swap3A_525 = vector.shape_cast %add3A_519 : vector<16xi32> to vector<1x16xi32>
      tpu.vector_store %arg7[%swap3A_521, %swap3A_522], %swap3A_525 {strides = array<i32>} : memref<4x128xi32, #tpu.memory_space<vmem>>, vector<1x16xi32>,
      %add3A_526 = arith.constant 12 : i32
      %add3A_527 = vector.broadcast %add3A_526 : i32 to vector<16xi32>
      %add3A_528 = arith.addi %and3A_4, %add3A_527 : vector<16xi32>
      %add3A_529 = arith.constant 4 : i32
      %add3A_530 = vector.broadcast %add3A_529 : i32 to vector<16xi32>
      %add3A_531 = arith.addi %shift_right_logical3A_6, %add3A_530 : vector<16xi32>
      %broadcast_in_dim3A_532 = vector.shape_cast %add3A_528 : vector<16xi32> to vector<16x1xi32>
      %gather3A_533 = vector.shape_cast %broadcast_in_dim3A_532 : vector<16x1xi32> to vector<16xi32>
      %gather3A_534 = tpu.dynamic_gather %get3A_392[%gather3A_533] in [0] : vector<16xi32>, vector<16xi32> -> vector<16xi32>
      %mul3A_535 = arith.constant 8 : i32
      %mul3A_536 = vector.broadcast %mul3A_535 : i32 to vector<16xi32>
      %mul3A_537 = arith.muli %gather3A_534, %mul3A_536 : vector<16xi32>
      %add3A_538 = arith.addi %mul3A_537, %add3A_531 : vector<16xi32>
      %swap3A_539 = arith.constant 1 : i32
      %swap3A_540 = arith.index_cast %swap3A_539 : i32 to index
      %swap3A_541 = arith.constant 112 : index
      %swap3A_542 = tpu.vector_load %arg7[%swap3A_540, %swap3A_541] {strides = array<i32>} : memref<4x128xi32, #tpu.memory_space<vmem>>, vector<1x16xi32>,
      %swap3A_543 = vector.shape_cast %swap3A_542 : vector<1x16xi32> to vector<16xi32>
      %swap3A_544 = vector.shape_cast %add3A_538 : vector<16xi32> to vector<1x16xi32>
      tpu.vector_store %arg7[%swap3A_540, %swap3A_541], %swap3A_544 {strides = array<i32>} : memref<4x128xi32, #tpu.memory_space<vmem>>, vector<1x16xi32>,
      %dma_start3A_545 = arith.constant 1 : i32
      %dma_start3A_546 = arith.constant 1 : i32
      %dma_start3A_547 = arith.constant 1 : i32
      %dma_start3A_548 = arith.constant 0 : i32
      %dma_start3A_549 = arith.constant 0 : i32
      %dma_start3A_550 = tpu.memref_slice %arg8[%dma_start3A_546, %dma_start3A_548, %dma_start3A_549] : memref<4x128x128xf32, #tpu.memory_space<vmem>> -> memref<1x128x128xf32, #tpu.memory_space<vmem>>
      %dma_start3A_551 = tpu.memref_squeeze %dma_start3A_550 : memref<1x128x128xf32, #tpu.memory_space<vmem>> -> memref<128x128xf32, #tpu.memory_space<vmem>>
      %dma_start3A_552 = arith.constant 0 : i32
      %dma_start3A_553 = tpu.memref_slice %arg7[%dma_start3A_545, %dma_start3A_552] : memref<4x128xi32, #tpu.memory_space<vmem>> -> memref<1x128xi32, #tpu.memory_space<vmem>>
      %dma_start3A_554 = tpu.memref_squeeze %dma_start3A_553 : memref<1x128xi32, #tpu.memory_space<vmem>> -> memref<128xi32, #tpu.memory_space<vmem>>
      %dma_start3A_555 = arith.constant 0 : i32
      %dma_start3A_556 = arith.constant 0 : i32
      %dma_start3A_557 = tpu.memref_slice %arg4[%dma_start3A_555, %dma_start3A_556] : memref<32768x128xf32, #tpu.memory_space<hbm>> -> memref<32768x128xf32, #tpu.memory_space<hbm>>
      %dma_start3A_558 = tpu.memref_slice %arg10[%dma_start3A_547] : memref<4x!tpu.dma_semaphore, #tpu.memory_space<semaphore_mem>> -> memref<1x!tpu.dma_semaphore, #tpu.memory_space<semaphore_mem>>
      %dma_start3A_559 = tpu.memref_squeeze %dma_start3A_558 : memref<1x!tpu.dma_semaphore, #tpu.memory_space<semaphore_mem>> -> memref<!tpu.dma_semaphore, #tpu.memory_space<semaphore_mem>>
      tpu.enqueue_indirect_dma source(%dma_start3A_557 : memref<32768x128xf32, #tpu.memory_space<hbm>>) target(%dma_start3A_551 : memref<128x128xf32, #tpu.memory_space<vmem>>) offsets(%dma_start3A_554 : memref<128xi32, #tpu.memory_space<vmem>>) semaphore(%dma_start3A_559 : memref<!tpu.dma_semaphore, #tpu.memory_space<semaphore_mem>>) {add = true}
      %add3A_560 = arith.constant 4 : i32
      %add3A_561 = arith.addi %add3A_364, %add3A_560 : i32
      %sub3A_562 = arith.constant 2 : i32
      %sub3A_563 = arith.subi %add3A_561, %sub3A_562 : i32
      %lt3A_564 = arith.constant 32 : i32
      %lt3A_565 = arith.cmpi slt, %sub3A_563, %lt3A_564 : i32
      %convert_element_type3A_566 = arith.extui %lt3A_565 : i1 to i32
      %cond3A_567 = arith.constant 0 : i32
      %cond3A_568 = arith.cmpi ne, %convert_element_type3A_566, %cond3A_567 : i32
      scf.if %cond3A_568 {
        %ge3A_1000 = arith.constant 4 : i32
        %ge3A_1001 = arith.cmpi sge, %sub3A_563, %ge3A_1000 : i32
        %convert_element_type3A_1002 = arith.extui %ge3A_1001 : i1 to i32
        %cond3A_1003 = arith.constant 0 : i32
        %cond3A_1004 = arith.cmpi ne, %convert_element_type3A_1002, %cond3A_1003 : i32
        scf.if %cond3A_1004 {
          %dma_wait3A_1024 = arith.constant 3 : i32
          %dma_wait3A_1025 = arith.constant 3 : i32
          %dma_wait3A_1026 = arith.constant 0 : i32
          %dma_wait3A_1027 = arith.constant 0 : i32
          %dma_wait3A_1028 = tpu.memref_slice %arg8[%dma_wait3A_1024, %dma_wait3A_1026, %dma_wait3A_1027] : memref<4x128x128xf32, #tpu.memory_space<vmem>> -> memref<1x128x128xf32, #tpu.memory_space<vmem>>
          %dma_wait3A_1029 = tpu.memref_squeeze %dma_wait3A_1028 : memref<1x128x128xf32, #tpu.memory_space<vmem>> -> memref<128x128xf32, #tpu.memory_space<vmem>>
          %dma_wait3A_1030 = arith.constant 0 : i32
          %dma_wait3A_1031 = arith.constant 0 : i32
          %dma_wait3A_1032 = tpu.memref_slice %arg5[%dma_wait3A_1030, %dma_wait3A_1031] : memref<131072x128xf32, #tpu.memory_space<hbm>> -> memref<128x128xf32, #tpu.memory_space<hbm>>
          %dma_wait3A_1033 = tpu.memref_slice %arg11[%dma_wait3A_1025] : memref<4x!tpu.dma_semaphore, #tpu.memory_space<semaphore_mem>> -> memref<1x!tpu.dma_semaphore, #tpu.memory_space<semaphore_mem>>
          %dma_wait3A_1034 = tpu.memref_squeeze %dma_wait3A_1033 : memref<1x!tpu.dma_semaphore, #tpu.memory_space<semaphore_mem>> -> memref<!tpu.dma_semaphore, #tpu.memory_space<semaphore_mem>>
          %dma_wait3A_1035 = arith.constant 0 : i32
          %dma_wait3A_1036 = arith.constant 0 : i32
          %dma_wait3A_1037 = tpu.memref_slice %arg5[%dma_wait3A_1035, %dma_wait3A_1036] : memref<131072x128xf32, #tpu.memory_space<hbm>> -> memref<128x128xf32, #tpu.memory_space<hbm>>
          %dma_wait3A_1038 = arith.constant 0 : i32
          %dma_wait3A_1039 = arith.constant 0 : i32
          %dma_wait3A_1040 = tpu.memref_slice %arg8[%dma_wait3A_1024, %dma_wait3A_1038, %dma_wait3A_1039] : memref<4x128x128xf32, #tpu.memory_space<vmem>> -> memref<1x128x128xf32, #tpu.memory_space<vmem>>
          %dma_wait3A_1041 = tpu.memref_squeeze %dma_wait3A_1040 : memref<1x128x128xf32, #tpu.memory_space<vmem>> -> memref<128x128xf32, #tpu.memory_space<vmem>>
          tpu.wait_dma2 semaphore(%dma_wait3A_1034 : memref<!tpu.dma_semaphore, #tpu.memory_space<semaphore_mem>>) src(%dma_wait3A_1041 : memref<128x128xf32, #tpu.memory_space<vmem>>) dst(%dma_wait3A_1037 : memref<128x128xf32, #tpu.memory_space<hbm>>)
        } else {
        }
        %mul3A_1005 = arith.constant 128 : i32
        %mul3A_1006 = arith.muli %sub3A_563, %mul3A_1005 : i32
        %add3A_1007 = arith.addi %mul3A_2, %mul3A_1006 : i32
        %dma_start3A_1008 = arith.constant 3 : i32
        %dma_start3A_1009 = arith.constant 3 : i32
        %dma_start3A_1010 = arith.constant 0 : i32
        %dma_start3A_1011 = arith.constant 0 : i32
        %dma_start3A_1012 = tpu.memref_slice %arg8[%dma_start3A_1008, %dma_start3A_1010, %dma_start3A_1011] : memref<4x128x128xf32, #tpu.memory_space<vmem>> -> memref<1x128x128xf32, #tpu.memory_space<vmem>>
        %dma_start3A_1013 = tpu.memref_squeeze %dma_start3A_1012 : memref<1x128x128xf32, #tpu.memory_space<vmem>> -> memref<128x128xf32, #tpu.memory_space<vmem>>
        %dma_start3A_1014 = arith.constant 0 : i32
        %dma_start3A_1015 = tpu.memref_slice %arg2[%add3A_1007, %dma_start3A_1014] : memref<131072x128xf32, #tpu.memory_space<hbm>> -> memref<128x128xf32, #tpu.memory_space<hbm>>
        %dma_start3A_1016 = tpu.memref_slice %arg9[%dma_start3A_1009] : memref<4x!tpu.dma_semaphore, #tpu.memory_space<semaphore_mem>> -> memref<1x!tpu.dma_semaphore, #tpu.memory_space<semaphore_mem>>
        %dma_start3A_1017 = tpu.memref_squeeze %dma_start3A_1016 : memref<1x!tpu.dma_semaphore, #tpu.memory_space<semaphore_mem>> -> memref<!tpu.dma_semaphore, #tpu.memory_space<semaphore_mem>>
        %dma_start3A_1018 = arith.constant 0 : i32
        %dma_start3A_1019 = arith.constant 0 : i32
        %dma_start3A_1020 = tpu.memref_slice %arg8[%dma_start3A_1008, %dma_start3A_1018, %dma_start3A_1019] : memref<4x128x128xf32, #tpu.memory_space<vmem>> -> memref<1x128x128xf32, #tpu.memory_space<vmem>>
        %dma_start3A_1021 = tpu.memref_squeeze %dma_start3A_1020 : memref<1x128x128xf32, #tpu.memory_space<vmem>> -> memref<128x128xf32, #tpu.memory_space<vmem>>
        %dma_start3A_1022 = arith.constant 0 : i32
        %dma_start3A_1023 = tpu.memref_slice %arg2[%add3A_1007, %dma_start3A_1022] : memref<131072x128xf32, #tpu.memory_space<hbm>> -> memref<128x128xf32, #tpu.memory_space<hbm>>
        tpu.enqueue_dma source(%dma_start3A_1023 : memref<128x128xf32, #tpu.memory_space<hbm>>) target(%dma_start3A_1021 : memref<128x128xf32, #tpu.memory_space<vmem>>) target_semaphore(%dma_start3A_1017 : memref<!tpu.dma_semaphore, #tpu.memory_space<semaphore_mem>>)
      } else {
      }
      %ge3A_569 = arith.constant 1 : i32
      %ge3A_570 = arith.cmpi sge, %add3A_364, %ge3A_569 : i32
      %convert_element_type3A_571 = arith.extui %ge3A_570 : i1 to i32
      %cond3A_572 = arith.constant 0 : i32
      %cond3A_573 = arith.cmpi ne, %convert_element_type3A_571, %cond3A_572 : i32
      scf.if %cond3A_573 {
        %dma_wait3A_1000 = arith.constant 0 : i32
        %dma_wait3A_1001 = arith.constant 0 : i32
        %dma_wait3A_1002 = arith.constant 0 : i32
        %dma_wait3A_1003 = arith.constant 0 : i32
        %dma_wait3A_1004 = tpu.memref_slice %arg8[%dma_wait3A_1000, %dma_wait3A_1002, %dma_wait3A_1003] : memref<4x128x128xf32, #tpu.memory_space<vmem>> -> memref<1x128x128xf32, #tpu.memory_space<vmem>>
        %dma_wait3A_1005 = tpu.memref_squeeze %dma_wait3A_1004 : memref<1x128x128xf32, #tpu.memory_space<vmem>> -> memref<128x128xf32, #tpu.memory_space<vmem>>
        %dma_wait3A_1006 = arith.constant 0 : i32
        %dma_wait3A_1007 = arith.constant 0 : i32
        %dma_wait3A_1008 = tpu.memref_slice %arg2[%dma_wait3A_1006, %dma_wait3A_1007] : memref<131072x128xf32, #tpu.memory_space<hbm>> -> memref<128x128xf32, #tpu.memory_space<hbm>>
        %dma_wait3A_1009 = tpu.memref_slice %arg10[%dma_wait3A_1001] : memref<4x!tpu.dma_semaphore, #tpu.memory_space<semaphore_mem>> -> memref<1x!tpu.dma_semaphore, #tpu.memory_space<semaphore_mem>>
        %dma_wait3A_1010 = tpu.memref_squeeze %dma_wait3A_1009 : memref<1x!tpu.dma_semaphore, #tpu.memory_space<semaphore_mem>> -> memref<!tpu.dma_semaphore, #tpu.memory_space<semaphore_mem>>
        %dma_wait3A_1011 = arith.constant 0 : i32
        %dma_wait3A_1012 = arith.constant 0 : i32
        %dma_wait3A_1013 = tpu.memref_slice %arg8[%dma_wait3A_1000, %dma_wait3A_1011, %dma_wait3A_1012] : memref<4x128x128xf32, #tpu.memory_space<vmem>> -> memref<1x128x128xf32, #tpu.memory_space<vmem>>
        %dma_wait3A_1014 = tpu.memref_squeeze %dma_wait3A_1013 : memref<1x128x128xf32, #tpu.memory_space<vmem>> -> memref<128x128xf32, #tpu.memory_space<vmem>>
        %dma_wait3A_1015 = arith.constant 0 : i32
        %dma_wait3A_1016 = arith.constant 0 : i32
        %dma_wait3A_1017 = tpu.memref_slice %arg2[%dma_wait3A_1015, %dma_wait3A_1016] : memref<131072x128xf32, #tpu.memory_space<hbm>> -> memref<128x128xf32, #tpu.memory_space<hbm>>
        tpu.wait_dma2 semaphore(%dma_wait3A_1010 : memref<!tpu.dma_semaphore, #tpu.memory_space<semaphore_mem>>) src(%dma_wait3A_1017 : memref<128x128xf32, #tpu.memory_space<hbm>>) dst(%dma_wait3A_1014 : memref<128x128xf32, #tpu.memory_space<vmem>>)
        %sub3A_1018 = arith.constant 1 : i32
        %sub3A_1019 = arith.subi %add3A_364, %sub3A_1018 : i32
        %mul3A_1020 = arith.constant 128 : i32
        %mul3A_1021 = arith.muli %sub3A_1019, %mul3A_1020 : i32
        %add3A_1022 = arith.addi %mul3A_2, %mul3A_1021 : i32
        %dma_start3A_1023 = arith.constant 0 : i32
        %dma_start3A_1024 = arith.constant 0 : i32
        %dma_start3A_1025 = arith.constant 0 : i32
        %dma_start3A_1026 = arith.constant 0 : i32
        %dma_start3A_1027 = tpu.memref_slice %arg8[%dma_start3A_1023, %dma_start3A_1025, %dma_start3A_1026] : memref<4x128x128xf32, #tpu.memory_space<vmem>> -> memref<1x128x128xf32, #tpu.memory_space<vmem>>
        %dma_start3A_1028 = tpu.memref_squeeze %dma_start3A_1027 : memref<1x128x128xf32, #tpu.memory_space<vmem>> -> memref<128x128xf32, #tpu.memory_space<vmem>>
        %dma_start3A_1029 = arith.constant 0 : i32
        %dma_start3A_1030 = tpu.memref_slice %arg5[%add3A_1022, %dma_start3A_1029] : memref<131072x128xf32, #tpu.memory_space<hbm>> -> memref<128x128xf32, #tpu.memory_space<hbm>>
        %dma_start3A_1031 = tpu.memref_slice %arg11[%dma_start3A_1024] : memref<4x!tpu.dma_semaphore, #tpu.memory_space<semaphore_mem>> -> memref<1x!tpu.dma_semaphore, #tpu.memory_space<semaphore_mem>>
        %dma_start3A_1032 = tpu.memref_squeeze %dma_start3A_1031 : memref<1x!tpu.dma_semaphore, #tpu.memory_space<semaphore_mem>> -> memref<!tpu.dma_semaphore, #tpu.memory_space<semaphore_mem>>
        %dma_start3A_1033 = arith.constant 0 : i32
        %dma_start3A_1034 = tpu.memref_slice %arg5[%add3A_1022, %dma_start3A_1033] : memref<131072x128xf32, #tpu.memory_space<hbm>> -> memref<128x128xf32, #tpu.memory_space<hbm>>
        %dma_start3A_1035 = arith.constant 0 : i32
        %dma_start3A_1036 = arith.constant 0 : i32
        %dma_start3A_1037 = tpu.memref_slice %arg8[%dma_start3A_1023, %dma_start3A_1035, %dma_start3A_1036] : memref<4x128x128xf32, #tpu.memory_space<vmem>> -> memref<1x128x128xf32, #tpu.memory_space<vmem>>
        %dma_start3A_1038 = tpu.memref_squeeze %dma_start3A_1037 : memref<1x128x128xf32, #tpu.memory_space<vmem>> -> memref<128x128xf32, #tpu.memory_space<vmem>>
        tpu.enqueue_dma source(%dma_start3A_1038 : memref<128x128xf32, #tpu.memory_space<vmem>>) target(%dma_start3A_1034 : memref<128x128xf32, #tpu.memory_space<hbm>>) target_semaphore(%dma_start3A_1032 : memref<!tpu.dma_semaphore, #tpu.memory_space<semaphore_mem>>)
      } else {
      }
      %mul3A_574 = arith.constant 4 : i32
      %mul3A_575 = arith.muli %scan3A_156, %mul3A_574 : i32
      %add3A_576 = arith.constant 2 : i32
      %add3A_577 = arith.addi %mul3A_575, %add3A_576 : i32
      %dma_wait3A_578 = arith.constant 2 : i32
      %dma_wait3A_579 = arith.constant 2 : i32
      %dma_wait3A_580 = arith.constant 0 : i32
      %dma_wait3A_581 = arith.constant 0 : i32
      %dma_wait3A_582 = tpu.memref_slice %arg8[%dma_wait3A_578, %dma_wait3A_580, %dma_wait3A_581] : memref<4x128x128xf32, #tpu.memory_space<vmem>> -> memref<1x128x128xf32, #tpu.memory_space<vmem>>
      %dma_wait3A_583 = tpu.memref_squeeze %dma_wait3A_582 : memref<1x128x128xf32, #tpu.memory_space<vmem>> -> memref<128x128xf32, #tpu.memory_space<vmem>>
      %dma_wait3A_584 = arith.constant 0 : i32
      %dma_wait3A_585 = arith.constant 0 : i32
      %dma_wait3A_586 = tpu.memref_slice %arg2[%dma_wait3A_584, %dma_wait3A_585] : memref<131072x128xf32, #tpu.memory_space<hbm>> -> memref<128x128xf32, #tpu.memory_space<hbm>>
      %dma_wait3A_587 = tpu.memref_slice %arg9[%dma_wait3A_579] : memref<4x!tpu.dma_semaphore, #tpu.memory_space<semaphore_mem>> -> memref<1x!tpu.dma_semaphore, #tpu.memory_space<semaphore_mem>>
      %dma_wait3A_588 = tpu.memref_squeeze %dma_wait3A_587 : memref<1x!tpu.dma_semaphore, #tpu.memory_space<semaphore_mem>> -> memref<!tpu.dma_semaphore, #tpu.memory_space<semaphore_mem>>
      %dma_wait3A_589 = arith.constant 0 : i32
      %dma_wait3A_590 = arith.constant 0 : i32
      %dma_wait3A_591 = tpu.memref_slice %arg8[%dma_wait3A_578, %dma_wait3A_589, %dma_wait3A_590] : memref<4x128x128xf32, #tpu.memory_space<vmem>> -> memref<1x128x128xf32, #tpu.memory_space<vmem>>
      %dma_wait3A_592 = tpu.memref_squeeze %dma_wait3A_591 : memref<1x128x128xf32, #tpu.memory_space<vmem>> -> memref<128x128xf32, #tpu.memory_space<vmem>>
      %dma_wait3A_593 = arith.constant 0 : i32
      %dma_wait3A_594 = arith.constant 0 : i32
      %dma_wait3A_595 = tpu.memref_slice %arg2[%dma_wait3A_593, %dma_wait3A_594] : memref<131072x128xf32, #tpu.memory_space<hbm>> -> memref<128x128xf32, #tpu.memory_space<hbm>>
      tpu.wait_dma2 semaphore(%dma_wait3A_588 : memref<!tpu.dma_semaphore, #tpu.memory_space<semaphore_mem>>) src(%dma_wait3A_595 : memref<128x128xf32, #tpu.memory_space<hbm>>) dst(%dma_wait3A_592 : memref<128x128xf32, #tpu.memory_space<vmem>>)
      %shift_right_logical3A_596 = arith.constant 3 : i32
      %shift_right_logical3A_597 = arith.shrui %add3A_577, %shift_right_logical3A_596 : i32
      %and3A_598 = arith.constant 7 : i32
      %and3A_599 = arith.andi %add3A_577, %and3A_598 : i32
      %mul3A_600 = arith.constant 16 : i32
      %mul3A_601 = arith.muli %and3A_599, %mul3A_600 : i32
      %get3A_602 = arith.index_cast %shift_right_logical3A_597 : i32 to index
      %get3A_603 = arith.index_cast %mul3A_601 : i32 to index
      %get3A_604 = tpu.vector_load %arg6[%get3A_602, %get3A_603] {strides = array<i32>} : memref<4x128xi32, #tpu.memory_space<vmem>>, vector<1x16xi32>,
      %get3A_605 = vector.shape_cast %get3A_604 : vector<1x16xi32> to vector<16xi32>
      %add3A_606 = arith.constant 0 : i32
      %add3A_607 = vector.broadcast %add3A_606 : i32 to vector<16xi32>
      %add3A_608 = arith.addi %and3A_4, %add3A_607 : vector<16xi32>
      %add3A_609 = arith.constant 0 : i32
      %add3A_610 = vector.broadcast %add3A_609 : i32 to vector<16xi32>
      %add3A_611 = arith.addi %shift_right_logical3A_6, %add3A_610 : vector<16xi32>
      %broadcast_in_dim3A_612 = vector.shape_cast %add3A_608 : vector<16xi32> to vector<16x1xi32>
      %gather3A_613 = vector.shape_cast %broadcast_in_dim3A_612 : vector<16x1xi32> to vector<16xi32>
      %gather3A_614 = tpu.dynamic_gather %get3A_605[%gather3A_613] in [0] : vector<16xi32>, vector<16xi32> -> vector<16xi32>
      %mul3A_615 = arith.constant 8 : i32
      %mul3A_616 = vector.broadcast %mul3A_615 : i32 to vector<16xi32>
      %mul3A_617 = arith.muli %gather3A_614, %mul3A_616 : vector<16xi32>
      %add3A_618 = arith.addi %mul3A_617, %add3A_611 : vector<16xi32>
      %swap3A_619 = arith.constant 2 : i32
      %swap3A_620 = arith.index_cast %swap3A_619 : i32 to index
      %swap3A_621 = arith.constant 0 : index
      %swap3A_622 = tpu.vector_load %arg7[%swap3A_620, %swap3A_621] {strides = array<i32>} : memref<4x128xi32, #tpu.memory_space<vmem>>, vector<1x16xi32>,
      %swap3A_623 = vector.shape_cast %swap3A_622 : vector<1x16xi32> to vector<16xi32>
      %swap3A_624 = vector.shape_cast %add3A_618 : vector<16xi32> to vector<1x16xi32>
      tpu.vector_store %arg7[%swap3A_620, %swap3A_621], %swap3A_624 {strides = array<i32>} : memref<4x128xi32, #tpu.memory_space<vmem>>, vector<1x16xi32>,
      %add3A_625 = arith.constant 0 : i32
      %add3A_626 = vector.broadcast %add3A_625 : i32 to vector<16xi32>
      %add3A_627 = arith.addi %and3A_4, %add3A_626 : vector<16xi32>
      %add3A_628 = arith.constant 4 : i32
      %add3A_629 = vector.broadcast %add3A_628 : i32 to vector<16xi32>
      %add3A_630 = arith.addi %shift_right_logical3A_6, %add3A_629 : vector<16xi32>
      %broadcast_in_dim3A_631 = vector.shape_cast %add3A_627 : vector<16xi32> to vector<16x1xi32>
      %gather3A_632 = vector.shape_cast %broadcast_in_dim3A_631 : vector<16x1xi32> to vector<16xi32>
      %gather3A_633 = tpu.dynamic_gather %get3A_605[%gather3A_632] in [0] : vector<16xi32>, vector<16xi32> -> vector<16xi32>
      %mul3A_634 = arith.constant 8 : i32
      %mul3A_635 = vector.broadcast %mul3A_634 : i32 to vector<16xi32>
      %mul3A_636 = arith.muli %gather3A_633, %mul3A_635 : vector<16xi32>
      %add3A_637 = arith.addi %mul3A_636, %add3A_630 : vector<16xi32>
      %swap3A_638 = arith.constant 2 : i32
      %swap3A_639 = arith.index_cast %swap3A_638 : i32 to index
      %swap3A_640 = arith.constant 16 : index
      %swap3A_641 = tpu.vector_load %arg7[%swap3A_639, %swap3A_640] {strides = array<i32>} : memref<4x128xi32, #tpu.memory_space<vmem>>, vector<1x16xi32>,
      %swap3A_642 = vector.shape_cast %swap3A_641 : vector<1x16xi32> to vector<16xi32>
      %swap3A_643 = vector.shape_cast %add3A_637 : vector<16xi32> to vector<1x16xi32>
      tpu.vector_store %arg7[%swap3A_639, %swap3A_640], %swap3A_643 {strides = array<i32>} : memref<4x128xi32, #tpu.memory_space<vmem>>, vector<1x16xi32>,
      %add3A_644 = arith.constant 4 : i32
      %add3A_645 = vector.broadcast %add3A_644 : i32 to vector<16xi32>
      %add3A_646 = arith.addi %and3A_4, %add3A_645 : vector<16xi32>
      %add3A_647 = arith.constant 0 : i32
      %add3A_648 = vector.broadcast %add3A_647 : i32 to vector<16xi32>
      %add3A_649 = arith.addi %shift_right_logical3A_6, %add3A_648 : vector<16xi32>
      %broadcast_in_dim3A_650 = vector.shape_cast %add3A_646 : vector<16xi32> to vector<16x1xi32>
      %gather3A_651 = vector.shape_cast %broadcast_in_dim3A_650 : vector<16x1xi32> to vector<16xi32>
      %gather3A_652 = tpu.dynamic_gather %get3A_605[%gather3A_651] in [0] : vector<16xi32>, vector<16xi32> -> vector<16xi32>
      %mul3A_653 = arith.constant 8 : i32
      %mul3A_654 = vector.broadcast %mul3A_653 : i32 to vector<16xi32>
      %mul3A_655 = arith.muli %gather3A_652, %mul3A_654 : vector<16xi32>
      %add3A_656 = arith.addi %mul3A_655, %add3A_649 : vector<16xi32>
      %swap3A_657 = arith.constant 2 : i32
      %swap3A_658 = arith.index_cast %swap3A_657 : i32 to index
      %swap3A_659 = arith.constant 32 : index
      %swap3A_660 = tpu.vector_load %arg7[%swap3A_658, %swap3A_659] {strides = array<i32>} : memref<4x128xi32, #tpu.memory_space<vmem>>, vector<1x16xi32>,
      %swap3A_661 = vector.shape_cast %swap3A_660 : vector<1x16xi32> to vector<16xi32>
      %swap3A_662 = vector.shape_cast %add3A_656 : vector<16xi32> to vector<1x16xi32>
      tpu.vector_store %arg7[%swap3A_658, %swap3A_659], %swap3A_662 {strides = array<i32>} : memref<4x128xi32, #tpu.memory_space<vmem>>, vector<1x16xi32>,
      %add3A_663 = arith.constant 4 : i32
      %add3A_664 = vector.broadcast %add3A_663 : i32 to vector<16xi32>
      %add3A_665 = arith.addi %and3A_4, %add3A_664 : vector<16xi32>
      %add3A_666 = arith.constant 4 : i32
      %add3A_667 = vector.broadcast %add3A_666 : i32 to vector<16xi32>
      %add3A_668 = arith.addi %shift_right_logical3A_6, %add3A_667 : vector<16xi32>
      %broadcast_in_dim3A_669 = vector.shape_cast %add3A_665 : vector<16xi32> to vector<16x1xi32>
      %gather3A_670 = vector.shape_cast %broadcast_in_dim3A_669 : vector<16x1xi32> to vector<16xi32>
      %gather3A_671 = tpu.dynamic_gather %get3A_605[%gather3A_670] in [0] : vector<16xi32>, vector<16xi32> -> vector<16xi32>
      %mul3A_672 = arith.constant 8 : i32
      %mul3A_673 = vector.broadcast %mul3A_672 : i32 to vector<16xi32>
      %mul3A_674 = arith.muli %gather3A_671, %mul3A_673 : vector<16xi32>
      %add3A_675 = arith.addi %mul3A_674, %add3A_668 : vector<16xi32>
      %swap3A_676 = arith.constant 2 : i32
      %swap3A_677 = arith.index_cast %swap3A_676 : i32 to index
      %swap3A_678 = arith.constant 48 : index
      %swap3A_679 = tpu.vector_load %arg7[%swap3A_677, %swap3A_678] {strides = array<i32>} : memref<4x128xi32, #tpu.memory_space<vmem>>, vector<1x16xi32>,
      %swap3A_680 = vector.shape_cast %swap3A_679 : vector<1x16xi32> to vector<16xi32>
      %swap3A_681 = vector.shape_cast %add3A_675 : vector<16xi32> to vector<1x16xi32>
      tpu.vector_store %arg7[%swap3A_677, %swap3A_678], %swap3A_681 {strides = array<i32>} : memref<4x128xi32, #tpu.memory_space<vmem>>, vector<1x16xi32>,
      %add3A_682 = arith.constant 8 : i32
      %add3A_683 = vector.broadcast %add3A_682 : i32 to vector<16xi32>
      %add3A_684 = arith.addi %and3A_4, %add3A_683 : vector<16xi32>
      %add3A_685 = arith.constant 0 : i32
      %add3A_686 = vector.broadcast %add3A_685 : i32 to vector<16xi32>
      %add3A_687 = arith.addi %shift_right_logical3A_6, %add3A_686 : vector<16xi32>
      %broadcast_in_dim3A_688 = vector.shape_cast %add3A_684 : vector<16xi32> to vector<16x1xi32>
      %gather3A_689 = vector.shape_cast %broadcast_in_dim3A_688 : vector<16x1xi32> to vector<16xi32>
      %gather3A_690 = tpu.dynamic_gather %get3A_605[%gather3A_689] in [0] : vector<16xi32>, vector<16xi32> -> vector<16xi32>
      %mul3A_691 = arith.constant 8 : i32
      %mul3A_692 = vector.broadcast %mul3A_691 : i32 to vector<16xi32>
      %mul3A_693 = arith.muli %gather3A_690, %mul3A_692 : vector<16xi32>
      %add3A_694 = arith.addi %mul3A_693, %add3A_687 : vector<16xi32>
      %swap3A_695 = arith.constant 2 : i32
      %swap3A_696 = arith.index_cast %swap3A_695 : i32 to index
      %swap3A_697 = arith.constant 64 : index
      %swap3A_698 = tpu.vector_load %arg7[%swap3A_696, %swap3A_697] {strides = array<i32>} : memref<4x128xi32, #tpu.memory_space<vmem>>, vector<1x16xi32>,
      %swap3A_699 = vector.shape_cast %swap3A_698 : vector<1x16xi32> to vector<16xi32>
      %swap3A_700 = vector.shape_cast %add3A_694 : vector<16xi32> to vector<1x16xi32>
      tpu.vector_store %arg7[%swap3A_696, %swap3A_697], %swap3A_700 {strides = array<i32>} : memref<4x128xi32, #tpu.memory_space<vmem>>, vector<1x16xi32>,
      %add3A_701 = arith.constant 8 : i32
      %add3A_702 = vector.broadcast %add3A_701 : i32 to vector<16xi32>
      %add3A_703 = arith.addi %and3A_4, %add3A_702 : vector<16xi32>
      %add3A_704 = arith.constant 4 : i32
      %add3A_705 = vector.broadcast %add3A_704 : i32 to vector<16xi32>
      %add3A_706 = arith.addi %shift_right_logical3A_6, %add3A_705 : vector<16xi32>
      %broadcast_in_dim3A_707 = vector.shape_cast %add3A_703 : vector<16xi32> to vector<16x1xi32>
      %gather3A_708 = vector.shape_cast %broadcast_in_dim3A_707 : vector<16x1xi32> to vector<16xi32>
      %gather3A_709 = tpu.dynamic_gather %get3A_605[%gather3A_708] in [0] : vector<16xi32>, vector<16xi32> -> vector<16xi32>
      %mul3A_710 = arith.constant 8 : i32
      %mul3A_711 = vector.broadcast %mul3A_710 : i32 to vector<16xi32>
      %mul3A_712 = arith.muli %gather3A_709, %mul3A_711 : vector<16xi32>
      %add3A_713 = arith.addi %mul3A_712, %add3A_706 : vector<16xi32>
      %swap3A_714 = arith.constant 2 : i32
      %swap3A_715 = arith.index_cast %swap3A_714 : i32 to index
      %swap3A_716 = arith.constant 80 : index
      %swap3A_717 = tpu.vector_load %arg7[%swap3A_715, %swap3A_716] {strides = array<i32>} : memref<4x128xi32, #tpu.memory_space<vmem>>, vector<1x16xi32>,
      %swap3A_718 = vector.shape_cast %swap3A_717 : vector<1x16xi32> to vector<16xi32>
      %swap3A_719 = vector.shape_cast %add3A_713 : vector<16xi32> to vector<1x16xi32>
      tpu.vector_store %arg7[%swap3A_715, %swap3A_716], %swap3A_719 {strides = array<i32>} : memref<4x128xi32, #tpu.memory_space<vmem>>, vector<1x16xi32>,
      %add3A_720 = arith.constant 12 : i32
      %add3A_721 = vector.broadcast %add3A_720 : i32 to vector<16xi32>
      %add3A_722 = arith.addi %and3A_4, %add3A_721 : vector<16xi32>
      %add3A_723 = arith.constant 0 : i32
      %add3A_724 = vector.broadcast %add3A_723 : i32 to vector<16xi32>
      %add3A_725 = arith.addi %shift_right_logical3A_6, %add3A_724 : vector<16xi32>
      %broadcast_in_dim3A_726 = vector.shape_cast %add3A_722 : vector<16xi32> to vector<16x1xi32>
      %gather3A_727 = vector.shape_cast %broadcast_in_dim3A_726 : vector<16x1xi32> to vector<16xi32>
      %gather3A_728 = tpu.dynamic_gather %get3A_605[%gather3A_727] in [0] : vector<16xi32>, vector<16xi32> -> vector<16xi32>
      %mul3A_729 = arith.constant 8 : i32
      %mul3A_730 = vector.broadcast %mul3A_729 : i32 to vector<16xi32>
      %mul3A_731 = arith.muli %gather3A_728, %mul3A_730 : vector<16xi32>
      %add3A_732 = arith.addi %mul3A_731, %add3A_725 : vector<16xi32>
      %swap3A_733 = arith.constant 2 : i32
      %swap3A_734 = arith.index_cast %swap3A_733 : i32 to index
      %swap3A_735 = arith.constant 96 : index
      %swap3A_736 = tpu.vector_load %arg7[%swap3A_734, %swap3A_735] {strides = array<i32>} : memref<4x128xi32, #tpu.memory_space<vmem>>, vector<1x16xi32>,
      %swap3A_737 = vector.shape_cast %swap3A_736 : vector<1x16xi32> to vector<16xi32>
      %swap3A_738 = vector.shape_cast %add3A_732 : vector<16xi32> to vector<1x16xi32>
      tpu.vector_store %arg7[%swap3A_734, %swap3A_735], %swap3A_738 {strides = array<i32>} : memref<4x128xi32, #tpu.memory_space<vmem>>, vector<1x16xi32>,
      %add3A_739 = arith.constant 12 : i32
      %add3A_740 = vector.broadcast %add3A_739 : i32 to vector<16xi32>
      %add3A_741 = arith.addi %and3A_4, %add3A_740 : vector<16xi32>
      %add3A_742 = arith.constant 4 : i32
      %add3A_743 = vector.broadcast %add3A_742 : i32 to vector<16xi32>
      %add3A_744 = arith.addi %shift_right_logical3A_6, %add3A_743 : vector<16xi32>
      %broadcast_in_dim3A_745 = vector.shape_cast %add3A_741 : vector<16xi32> to vector<16x1xi32>
      %gather3A_746 = vector.shape_cast %broadcast_in_dim3A_745 : vector<16x1xi32> to vector<16xi32>
      %gather3A_747 = tpu.dynamic_gather %get3A_605[%gather3A_746] in [0] : vector<16xi32>, vector<16xi32> -> vector<16xi32>
      %mul3A_748 = arith.constant 8 : i32
      %mul3A_749 = vector.broadcast %mul3A_748 : i32 to vector<16xi32>
      %mul3A_750 = arith.muli %gather3A_747, %mul3A_749 : vector<16xi32>
      %add3A_751 = arith.addi %mul3A_750, %add3A_744 : vector<16xi32>
      %swap3A_752 = arith.constant 2 : i32
      %swap3A_753 = arith.index_cast %swap3A_752 : i32 to index
      %swap3A_754 = arith.constant 112 : index
      %swap3A_755 = tpu.vector_load %arg7[%swap3A_753, %swap3A_754] {strides = array<i32>} : memref<4x128xi32, #tpu.memory_space<vmem>>, vector<1x16xi32>,
      %swap3A_756 = vector.shape_cast %swap3A_755 : vector<1x16xi32> to vector<16xi32>
      %swap3A_757 = vector.shape_cast %add3A_751 : vector<16xi32> to vector<1x16xi32>
      tpu.vector_store %arg7[%swap3A_753, %swap3A_754], %swap3A_757 {strides = array<i32>} : memref<4x128xi32, #tpu.memory_space<vmem>>, vector<1x16xi32>,
      %dma_start3A_758 = arith.constant 2 : i32
      %dma_start3A_759 = arith.constant 2 : i32
      %dma_start3A_760 = arith.constant 2 : i32
      %dma_start3A_761 = arith.constant 0 : i32
      %dma_start3A_762 = arith.constant 0 : i32
      %dma_start3A_763 = tpu.memref_slice %arg8[%dma_start3A_759, %dma_start3A_761, %dma_start3A_762] : memref<4x128x128xf32, #tpu.memory_space<vmem>> -> memref<1x128x128xf32, #tpu.memory_space<vmem>>
      %dma_start3A_764 = tpu.memref_squeeze %dma_start3A_763 : memref<1x128x128xf32, #tpu.memory_space<vmem>> -> memref<128x128xf32, #tpu.memory_space<vmem>>
      %dma_start3A_765 = arith.constant 0 : i32
      %dma_start3A_766 = tpu.memref_slice %arg7[%dma_start3A_758, %dma_start3A_765] : memref<4x128xi32, #tpu.memory_space<vmem>> -> memref<1x128xi32, #tpu.memory_space<vmem>>
      %dma_start3A_767 = tpu.memref_squeeze %dma_start3A_766 : memref<1x128xi32, #tpu.memory_space<vmem>> -> memref<128xi32, #tpu.memory_space<vmem>>
      %dma_start3A_768 = arith.constant 0 : i32
      %dma_start3A_769 = arith.constant 0 : i32
      %dma_start3A_770 = tpu.memref_slice %arg4[%dma_start3A_768, %dma_start3A_769] : memref<32768x128xf32, #tpu.memory_space<hbm>> -> memref<32768x128xf32, #tpu.memory_space<hbm>>
      %dma_start3A_771 = tpu.memref_slice %arg10[%dma_start3A_760] : memref<4x!tpu.dma_semaphore, #tpu.memory_space<semaphore_mem>> -> memref<1x!tpu.dma_semaphore, #tpu.memory_space<semaphore_mem>>
      %dma_start3A_772 = tpu.memref_squeeze %dma_start3A_771 : memref<1x!tpu.dma_semaphore, #tpu.memory_space<semaphore_mem>> -> memref<!tpu.dma_semaphore, #tpu.memory_space<semaphore_mem>>
      tpu.enqueue_indirect_dma source(%dma_start3A_770 : memref<32768x128xf32, #tpu.memory_space<hbm>>) target(%dma_start3A_764 : memref<128x128xf32, #tpu.memory_space<vmem>>) offsets(%dma_start3A_767 : memref<128xi32, #tpu.memory_space<vmem>>) semaphore(%dma_start3A_772 : memref<!tpu.dma_semaphore, #tpu.memory_space<semaphore_mem>>) {add = true}
      %add3A_773 = arith.constant 4 : i32
      %add3A_774 = arith.addi %add3A_577, %add3A_773 : i32
      %sub3A_775 = arith.constant 2 : i32
      %sub3A_776 = arith.subi %add3A_774, %sub3A_775 : i32
      %lt3A_777 = arith.constant 32 : i32
      %lt3A_778 = arith.cmpi slt, %sub3A_776, %lt3A_777 : i32
      %convert_element_type3A_779 = arith.extui %lt3A_778 : i1 to i32
      %cond3A_780 = arith.constant 0 : i32
      %cond3A_781 = arith.cmpi ne, %convert_element_type3A_779, %cond3A_780 : i32
      scf.if %cond3A_781 {
        %ge3A_1000 = arith.constant 4 : i32
        %ge3A_1001 = arith.cmpi sge, %sub3A_776, %ge3A_1000 : i32
        %convert_element_type3A_1002 = arith.extui %ge3A_1001 : i1 to i32
        %cond3A_1003 = arith.constant 0 : i32
        %cond3A_1004 = arith.cmpi ne, %convert_element_type3A_1002, %cond3A_1003 : i32
        scf.if %cond3A_1004 {
          %dma_wait3A_1024 = arith.constant 0 : i32
          %dma_wait3A_1025 = arith.constant 0 : i32
          %dma_wait3A_1026 = arith.constant 0 : i32
          %dma_wait3A_1027 = arith.constant 0 : i32
          %dma_wait3A_1028 = tpu.memref_slice %arg8[%dma_wait3A_1024, %dma_wait3A_1026, %dma_wait3A_1027] : memref<4x128x128xf32, #tpu.memory_space<vmem>> -> memref<1x128x128xf32, #tpu.memory_space<vmem>>
          %dma_wait3A_1029 = tpu.memref_squeeze %dma_wait3A_1028 : memref<1x128x128xf32, #tpu.memory_space<vmem>> -> memref<128x128xf32, #tpu.memory_space<vmem>>
          %dma_wait3A_1030 = arith.constant 0 : i32
          %dma_wait3A_1031 = arith.constant 0 : i32
          %dma_wait3A_1032 = tpu.memref_slice %arg5[%dma_wait3A_1030, %dma_wait3A_1031] : memref<131072x128xf32, #tpu.memory_space<hbm>> -> memref<128x128xf32, #tpu.memory_space<hbm>>
          %dma_wait3A_1033 = tpu.memref_slice %arg11[%dma_wait3A_1025] : memref<4x!tpu.dma_semaphore, #tpu.memory_space<semaphore_mem>> -> memref<1x!tpu.dma_semaphore, #tpu.memory_space<semaphore_mem>>
          %dma_wait3A_1034 = tpu.memref_squeeze %dma_wait3A_1033 : memref<1x!tpu.dma_semaphore, #tpu.memory_space<semaphore_mem>> -> memref<!tpu.dma_semaphore, #tpu.memory_space<semaphore_mem>>
          %dma_wait3A_1035 = arith.constant 0 : i32
          %dma_wait3A_1036 = arith.constant 0 : i32
          %dma_wait3A_1037 = tpu.memref_slice %arg5[%dma_wait3A_1035, %dma_wait3A_1036] : memref<131072x128xf32, #tpu.memory_space<hbm>> -> memref<128x128xf32, #tpu.memory_space<hbm>>
          %dma_wait3A_1038 = arith.constant 0 : i32
          %dma_wait3A_1039 = arith.constant 0 : i32
          %dma_wait3A_1040 = tpu.memref_slice %arg8[%dma_wait3A_1024, %dma_wait3A_1038, %dma_wait3A_1039] : memref<4x128x128xf32, #tpu.memory_space<vmem>> -> memref<1x128x128xf32, #tpu.memory_space<vmem>>
          %dma_wait3A_1041 = tpu.memref_squeeze %dma_wait3A_1040 : memref<1x128x128xf32, #tpu.memory_space<vmem>> -> memref<128x128xf32, #tpu.memory_space<vmem>>
          tpu.wait_dma2 semaphore(%dma_wait3A_1034 : memref<!tpu.dma_semaphore, #tpu.memory_space<semaphore_mem>>) src(%dma_wait3A_1041 : memref<128x128xf32, #tpu.memory_space<vmem>>) dst(%dma_wait3A_1037 : memref<128x128xf32, #tpu.memory_space<hbm>>)
        } else {
        }
        %mul3A_1005 = arith.constant 128 : i32
        %mul3A_1006 = arith.muli %sub3A_776, %mul3A_1005 : i32
        %add3A_1007 = arith.addi %mul3A_2, %mul3A_1006 : i32
        %dma_start3A_1008 = arith.constant 0 : i32
        %dma_start3A_1009 = arith.constant 0 : i32
        %dma_start3A_1010 = arith.constant 0 : i32
        %dma_start3A_1011 = arith.constant 0 : i32
        %dma_start3A_1012 = tpu.memref_slice %arg8[%dma_start3A_1008, %dma_start3A_1010, %dma_start3A_1011] : memref<4x128x128xf32, #tpu.memory_space<vmem>> -> memref<1x128x128xf32, #tpu.memory_space<vmem>>
        %dma_start3A_1013 = tpu.memref_squeeze %dma_start3A_1012 : memref<1x128x128xf32, #tpu.memory_space<vmem>> -> memref<128x128xf32, #tpu.memory_space<vmem>>
        %dma_start3A_1014 = arith.constant 0 : i32
        %dma_start3A_1015 = tpu.memref_slice %arg2[%add3A_1007, %dma_start3A_1014] : memref<131072x128xf32, #tpu.memory_space<hbm>> -> memref<128x128xf32, #tpu.memory_space<hbm>>
        %dma_start3A_1016 = tpu.memref_slice %arg9[%dma_start3A_1009] : memref<4x!tpu.dma_semaphore, #tpu.memory_space<semaphore_mem>> -> memref<1x!tpu.dma_semaphore, #tpu.memory_space<semaphore_mem>>
        %dma_start3A_1017 = tpu.memref_squeeze %dma_start3A_1016 : memref<1x!tpu.dma_semaphore, #tpu.memory_space<semaphore_mem>> -> memref<!tpu.dma_semaphore, #tpu.memory_space<semaphore_mem>>
        %dma_start3A_1018 = arith.constant 0 : i32
        %dma_start3A_1019 = arith.constant 0 : i32
        %dma_start3A_1020 = tpu.memref_slice %arg8[%dma_start3A_1008, %dma_start3A_1018, %dma_start3A_1019] : memref<4x128x128xf32, #tpu.memory_space<vmem>> -> memref<1x128x128xf32, #tpu.memory_space<vmem>>
        %dma_start3A_1021 = tpu.memref_squeeze %dma_start3A_1020 : memref<1x128x128xf32, #tpu.memory_space<vmem>> -> memref<128x128xf32, #tpu.memory_space<vmem>>
        %dma_start3A_1022 = arith.constant 0 : i32
        %dma_start3A_1023 = tpu.memref_slice %arg2[%add3A_1007, %dma_start3A_1022] : memref<131072x128xf32, #tpu.memory_space<hbm>> -> memref<128x128xf32, #tpu.memory_space<hbm>>
        tpu.enqueue_dma source(%dma_start3A_1023 : memref<128x128xf32, #tpu.memory_space<hbm>>) target(%dma_start3A_1021 : memref<128x128xf32, #tpu.memory_space<vmem>>) target_semaphore(%dma_start3A_1017 : memref<!tpu.dma_semaphore, #tpu.memory_space<semaphore_mem>>)
      } else {
      }
      %ge3A_782 = arith.constant 1 : i32
      %ge3A_783 = arith.cmpi sge, %add3A_577, %ge3A_782 : i32
      %convert_element_type3A_784 = arith.extui %ge3A_783 : i1 to i32
      %cond3A_785 = arith.constant 0 : i32
      %cond3A_786 = arith.cmpi ne, %convert_element_type3A_784, %cond3A_785 : i32
      scf.if %cond3A_786 {
        %dma_wait3A_1000 = arith.constant 1 : i32
        %dma_wait3A_1001 = arith.constant 1 : i32
        %dma_wait3A_1002 = arith.constant 0 : i32
        %dma_wait3A_1003 = arith.constant 0 : i32
        %dma_wait3A_1004 = tpu.memref_slice %arg8[%dma_wait3A_1000, %dma_wait3A_1002, %dma_wait3A_1003] : memref<4x128x128xf32, #tpu.memory_space<vmem>> -> memref<1x128x128xf32, #tpu.memory_space<vmem>>
        %dma_wait3A_1005 = tpu.memref_squeeze %dma_wait3A_1004 : memref<1x128x128xf32, #tpu.memory_space<vmem>> -> memref<128x128xf32, #tpu.memory_space<vmem>>
        %dma_wait3A_1006 = arith.constant 0 : i32
        %dma_wait3A_1007 = arith.constant 0 : i32
        %dma_wait3A_1008 = tpu.memref_slice %arg2[%dma_wait3A_1006, %dma_wait3A_1007] : memref<131072x128xf32, #tpu.memory_space<hbm>> -> memref<128x128xf32, #tpu.memory_space<hbm>>
        %dma_wait3A_1009 = tpu.memref_slice %arg10[%dma_wait3A_1001] : memref<4x!tpu.dma_semaphore, #tpu.memory_space<semaphore_mem>> -> memref<1x!tpu.dma_semaphore, #tpu.memory_space<semaphore_mem>>
        %dma_wait3A_1010 = tpu.memref_squeeze %dma_wait3A_1009 : memref<1x!tpu.dma_semaphore, #tpu.memory_space<semaphore_mem>> -> memref<!tpu.dma_semaphore, #tpu.memory_space<semaphore_mem>>
        %dma_wait3A_1011 = arith.constant 0 : i32
        %dma_wait3A_1012 = arith.constant 0 : i32
        %dma_wait3A_1013 = tpu.memref_slice %arg8[%dma_wait3A_1000, %dma_wait3A_1011, %dma_wait3A_1012] : memref<4x128x128xf32, #tpu.memory_space<vmem>> -> memref<1x128x128xf32, #tpu.memory_space<vmem>>
        %dma_wait3A_1014 = tpu.memref_squeeze %dma_wait3A_1013 : memref<1x128x128xf32, #tpu.memory_space<vmem>> -> memref<128x128xf32, #tpu.memory_space<vmem>>
        %dma_wait3A_1015 = arith.constant 0 : i32
        %dma_wait3A_1016 = arith.constant 0 : i32
        %dma_wait3A_1017 = tpu.memref_slice %arg2[%dma_wait3A_1015, %dma_wait3A_1016] : memref<131072x128xf32, #tpu.memory_space<hbm>> -> memref<128x128xf32, #tpu.memory_space<hbm>>
        tpu.wait_dma2 semaphore(%dma_wait3A_1010 : memref<!tpu.dma_semaphore, #tpu.memory_space<semaphore_mem>>) src(%dma_wait3A_1017 : memref<128x128xf32, #tpu.memory_space<hbm>>) dst(%dma_wait3A_1014 : memref<128x128xf32, #tpu.memory_space<vmem>>)
        %sub3A_1018 = arith.constant 1 : i32
        %sub3A_1019 = arith.subi %add3A_577, %sub3A_1018 : i32
        %mul3A_1020 = arith.constant 128 : i32
        %mul3A_1021 = arith.muli %sub3A_1019, %mul3A_1020 : i32
        %add3A_1022 = arith.addi %mul3A_2, %mul3A_1021 : i32
        %dma_start3A_1023 = arith.constant 1 : i32
        %dma_start3A_1024 = arith.constant 1 : i32
        %dma_start3A_1025 = arith.constant 0 : i32
        %dma_start3A_1026 = arith.constant 0 : i32
        %dma_start3A_1027 = tpu.memref_slice %arg8[%dma_start3A_1023, %dma_start3A_1025, %dma_start3A_1026] : memref<4x128x128xf32, #tpu.memory_space<vmem>> -> memref<1x128x128xf32, #tpu.memory_space<vmem>>
        %dma_start3A_1028 = tpu.memref_squeeze %dma_start3A_1027 : memref<1x128x128xf32, #tpu.memory_space<vmem>> -> memref<128x128xf32, #tpu.memory_space<vmem>>
        %dma_start3A_1029 = arith.constant 0 : i32
        %dma_start3A_1030 = tpu.memref_slice %arg5[%add3A_1022, %dma_start3A_1029] : memref<131072x128xf32, #tpu.memory_space<hbm>> -> memref<128x128xf32, #tpu.memory_space<hbm>>
        %dma_start3A_1031 = tpu.memref_slice %arg11[%dma_start3A_1024] : memref<4x!tpu.dma_semaphore, #tpu.memory_space<semaphore_mem>> -> memref<1x!tpu.dma_semaphore, #tpu.memory_space<semaphore_mem>>
        %dma_start3A_1032 = tpu.memref_squeeze %dma_start3A_1031 : memref<1x!tpu.dma_semaphore, #tpu.memory_space<semaphore_mem>> -> memref<!tpu.dma_semaphore, #tpu.memory_space<semaphore_mem>>
        %dma_start3A_1033 = arith.constant 0 : i32
        %dma_start3A_1034 = tpu.memref_slice %arg5[%add3A_1022, %dma_start3A_1033] : memref<131072x128xf32, #tpu.memory_space<hbm>> -> memref<128x128xf32, #tpu.memory_space<hbm>>
        %dma_start3A_1035 = arith.constant 0 : i32
        %dma_start3A_1036 = arith.constant 0 : i32
        %dma_start3A_1037 = tpu.memref_slice %arg8[%dma_start3A_1023, %dma_start3A_1035, %dma_start3A_1036] : memref<4x128x128xf32, #tpu.memory_space<vmem>> -> memref<1x128x128xf32, #tpu.memory_space<vmem>>
        %dma_start3A_1038 = tpu.memref_squeeze %dma_start3A_1037 : memref<1x128x128xf32, #tpu.memory_space<vmem>> -> memref<128x128xf32, #tpu.memory_space<vmem>>
        tpu.enqueue_dma source(%dma_start3A_1038 : memref<128x128xf32, #tpu.memory_space<vmem>>) target(%dma_start3A_1034 : memref<128x128xf32, #tpu.memory_space<hbm>>) target_semaphore(%dma_start3A_1032 : memref<!tpu.dma_semaphore, #tpu.memory_space<semaphore_mem>>)
      } else {
      }
      %mul3A_787 = arith.constant 4 : i32
      %mul3A_788 = arith.muli %scan3A_156, %mul3A_787 : i32
      %add3A_789 = arith.constant 3 : i32
      %add3A_790 = arith.addi %mul3A_788, %add3A_789 : i32
      %dma_wait3A_791 = arith.constant 3 : i32
      %dma_wait3A_792 = arith.constant 3 : i32
      %dma_wait3A_793 = arith.constant 0 : i32
      %dma_wait3A_794 = arith.constant 0 : i32
      %dma_wait3A_795 = tpu.memref_slice %arg8[%dma_wait3A_791, %dma_wait3A_793, %dma_wait3A_794] : memref<4x128x128xf32, #tpu.memory_space<vmem>> -> memref<1x128x128xf32, #tpu.memory_space<vmem>>
      %dma_wait3A_796 = tpu.memref_squeeze %dma_wait3A_795 : memref<1x128x128xf32, #tpu.memory_space<vmem>> -> memref<128x128xf32, #tpu.memory_space<vmem>>
      %dma_wait3A_797 = arith.constant 0 : i32
      %dma_wait3A_798 = arith.constant 0 : i32
      %dma_wait3A_799 = tpu.memref_slice %arg2[%dma_wait3A_797, %dma_wait3A_798] : memref<131072x128xf32, #tpu.memory_space<hbm>> -> memref<128x128xf32, #tpu.memory_space<hbm>>
      %dma_wait3A_800 = tpu.memref_slice %arg9[%dma_wait3A_792] : memref<4x!tpu.dma_semaphore, #tpu.memory_space<semaphore_mem>> -> memref<1x!tpu.dma_semaphore, #tpu.memory_space<semaphore_mem>>
      %dma_wait3A_801 = tpu.memref_squeeze %dma_wait3A_800 : memref<1x!tpu.dma_semaphore, #tpu.memory_space<semaphore_mem>> -> memref<!tpu.dma_semaphore, #tpu.memory_space<semaphore_mem>>
      %dma_wait3A_802 = arith.constant 0 : i32
      %dma_wait3A_803 = arith.constant 0 : i32
      %dma_wait3A_804 = tpu.memref_slice %arg8[%dma_wait3A_791, %dma_wait3A_802, %dma_wait3A_803] : memref<4x128x128xf32, #tpu.memory_space<vmem>> -> memref<1x128x128xf32, #tpu.memory_space<vmem>>
      %dma_wait3A_805 = tpu.memref_squeeze %dma_wait3A_804 : memref<1x128x128xf32, #tpu.memory_space<vmem>> -> memref<128x128xf32, #tpu.memory_space<vmem>>
      %dma_wait3A_806 = arith.constant 0 : i32
      %dma_wait3A_807 = arith.constant 0 : i32
      %dma_wait3A_808 = tpu.memref_slice %arg2[%dma_wait3A_806, %dma_wait3A_807] : memref<131072x128xf32, #tpu.memory_space<hbm>> -> memref<128x128xf32, #tpu.memory_space<hbm>>
      tpu.wait_dma2 semaphore(%dma_wait3A_801 : memref<!tpu.dma_semaphore, #tpu.memory_space<semaphore_mem>>) src(%dma_wait3A_808 : memref<128x128xf32, #tpu.memory_space<hbm>>) dst(%dma_wait3A_805 : memref<128x128xf32, #tpu.memory_space<vmem>>)
      %shift_right_logical3A_809 = arith.constant 3 : i32
      %shift_right_logical3A_810 = arith.shrui %add3A_790, %shift_right_logical3A_809 : i32
      %and3A_811 = arith.constant 7 : i32
      %and3A_812 = arith.andi %add3A_790, %and3A_811 : i32
      %mul3A_813 = arith.constant 16 : i32
      %mul3A_814 = arith.muli %and3A_812, %mul3A_813 : i32
      %get3A_815 = arith.index_cast %shift_right_logical3A_810 : i32 to index
      %get3A_816 = arith.index_cast %mul3A_814 : i32 to index
      %get3A_817 = tpu.vector_load %arg6[%get3A_815, %get3A_816] {strides = array<i32>} : memref<4x128xi32, #tpu.memory_space<vmem>>, vector<1x16xi32>,
      %get3A_818 = vector.shape_cast %get3A_817 : vector<1x16xi32> to vector<16xi32>
      %add3A_819 = arith.constant 0 : i32
      %add3A_820 = vector.broadcast %add3A_819 : i32 to vector<16xi32>
      %add3A_821 = arith.addi %and3A_4, %add3A_820 : vector<16xi32>
      %add3A_822 = arith.constant 0 : i32
      %add3A_823 = vector.broadcast %add3A_822 : i32 to vector<16xi32>
      %add3A_824 = arith.addi %shift_right_logical3A_6, %add3A_823 : vector<16xi32>
      %broadcast_in_dim3A_825 = vector.shape_cast %add3A_821 : vector<16xi32> to vector<16x1xi32>
      %gather3A_826 = vector.shape_cast %broadcast_in_dim3A_825 : vector<16x1xi32> to vector<16xi32>
      %gather3A_827 = tpu.dynamic_gather %get3A_818[%gather3A_826] in [0] : vector<16xi32>, vector<16xi32> -> vector<16xi32>
      %mul3A_828 = arith.constant 8 : i32
      %mul3A_829 = vector.broadcast %mul3A_828 : i32 to vector<16xi32>
      %mul3A_830 = arith.muli %gather3A_827, %mul3A_829 : vector<16xi32>
      %add3A_831 = arith.addi %mul3A_830, %add3A_824 : vector<16xi32>
      %swap3A_832 = arith.constant 3 : i32
      %swap3A_833 = arith.index_cast %swap3A_832 : i32 to index
      %swap3A_834 = arith.constant 0 : index
      %swap3A_835 = tpu.vector_load %arg7[%swap3A_833, %swap3A_834] {strides = array<i32>} : memref<4x128xi32, #tpu.memory_space<vmem>>, vector<1x16xi32>,
      %swap3A_836 = vector.shape_cast %swap3A_835 : vector<1x16xi32> to vector<16xi32>
      %swap3A_837 = vector.shape_cast %add3A_831 : vector<16xi32> to vector<1x16xi32>
      tpu.vector_store %arg7[%swap3A_833, %swap3A_834], %swap3A_837 {strides = array<i32>} : memref<4x128xi32, #tpu.memory_space<vmem>>, vector<1x16xi32>,
      %add3A_838 = arith.constant 0 : i32
      %add3A_839 = vector.broadcast %add3A_838 : i32 to vector<16xi32>
      %add3A_840 = arith.addi %and3A_4, %add3A_839 : vector<16xi32>
      %add3A_841 = arith.constant 4 : i32
      %add3A_842 = vector.broadcast %add3A_841 : i32 to vector<16xi32>
      %add3A_843 = arith.addi %shift_right_logical3A_6, %add3A_842 : vector<16xi32>
      %broadcast_in_dim3A_844 = vector.shape_cast %add3A_840 : vector<16xi32> to vector<16x1xi32>
      %gather3A_845 = vector.shape_cast %broadcast_in_dim3A_844 : vector<16x1xi32> to vector<16xi32>
      %gather3A_846 = tpu.dynamic_gather %get3A_818[%gather3A_845] in [0] : vector<16xi32>, vector<16xi32> -> vector<16xi32>
      %mul3A_847 = arith.constant 8 : i32
      %mul3A_848 = vector.broadcast %mul3A_847 : i32 to vector<16xi32>
      %mul3A_849 = arith.muli %gather3A_846, %mul3A_848 : vector<16xi32>
      %add3A_850 = arith.addi %mul3A_849, %add3A_843 : vector<16xi32>
      %swap3A_851 = arith.constant 3 : i32
      %swap3A_852 = arith.index_cast %swap3A_851 : i32 to index
      %swap3A_853 = arith.constant 16 : index
      %swap3A_854 = tpu.vector_load %arg7[%swap3A_852, %swap3A_853] {strides = array<i32>} : memref<4x128xi32, #tpu.memory_space<vmem>>, vector<1x16xi32>,
      %swap3A_855 = vector.shape_cast %swap3A_854 : vector<1x16xi32> to vector<16xi32>
      %swap3A_856 = vector.shape_cast %add3A_850 : vector<16xi32> to vector<1x16xi32>
      tpu.vector_store %arg7[%swap3A_852, %swap3A_853], %swap3A_856 {strides = array<i32>} : memref<4x128xi32, #tpu.memory_space<vmem>>, vector<1x16xi32>,
      %add3A_857 = arith.constant 4 : i32
      %add3A_858 = vector.broadcast %add3A_857 : i32 to vector<16xi32>
      %add3A_859 = arith.addi %and3A_4, %add3A_858 : vector<16xi32>
      %add3A_860 = arith.constant 0 : i32
      %add3A_861 = vector.broadcast %add3A_860 : i32 to vector<16xi32>
      %add3A_862 = arith.addi %shift_right_logical3A_6, %add3A_861 : vector<16xi32>
      %broadcast_in_dim3A_863 = vector.shape_cast %add3A_859 : vector<16xi32> to vector<16x1xi32>
      %gather3A_864 = vector.shape_cast %broadcast_in_dim3A_863 : vector<16x1xi32> to vector<16xi32>
      %gather3A_865 = tpu.dynamic_gather %get3A_818[%gather3A_864] in [0] : vector<16xi32>, vector<16xi32> -> vector<16xi32>
      %mul3A_866 = arith.constant 8 : i32
      %mul3A_867 = vector.broadcast %mul3A_866 : i32 to vector<16xi32>
      %mul3A_868 = arith.muli %gather3A_865, %mul3A_867 : vector<16xi32>
      %add3A_869 = arith.addi %mul3A_868, %add3A_862 : vector<16xi32>
      %swap3A_870 = arith.constant 3 : i32
      %swap3A_871 = arith.index_cast %swap3A_870 : i32 to index
      %swap3A_872 = arith.constant 32 : index
      %swap3A_873 = tpu.vector_load %arg7[%swap3A_871, %swap3A_872] {strides = array<i32>} : memref<4x128xi32, #tpu.memory_space<vmem>>, vector<1x16xi32>,
      %swap3A_874 = vector.shape_cast %swap3A_873 : vector<1x16xi32> to vector<16xi32>
      %swap3A_875 = vector.shape_cast %add3A_869 : vector<16xi32> to vector<1x16xi32>
      tpu.vector_store %arg7[%swap3A_871, %swap3A_872], %swap3A_875 {strides = array<i32>} : memref<4x128xi32, #tpu.memory_space<vmem>>, vector<1x16xi32>,
      %add3A_876 = arith.constant 4 : i32
      %add3A_877 = vector.broadcast %add3A_876 : i32 to vector<16xi32>
      %add3A_878 = arith.addi %and3A_4, %add3A_877 : vector<16xi32>
      %add3A_879 = arith.constant 4 : i32
      %add3A_880 = vector.broadcast %add3A_879 : i32 to vector<16xi32>
      %add3A_881 = arith.addi %shift_right_logical3A_6, %add3A_880 : vector<16xi32>
      %broadcast_in_dim3A_882 = vector.shape_cast %add3A_878 : vector<16xi32> to vector<16x1xi32>
      %gather3A_883 = vector.shape_cast %broadcast_in_dim3A_882 : vector<16x1xi32> to vector<16xi32>
      %gather3A_884 = tpu.dynamic_gather %get3A_818[%gather3A_883] in [0] : vector<16xi32>, vector<16xi32> -> vector<16xi32>
      %mul3A_885 = arith.constant 8 : i32
      %mul3A_886 = vector.broadcast %mul3A_885 : i32 to vector<16xi32>
      %mul3A_887 = arith.muli %gather3A_884, %mul3A_886 : vector<16xi32>
      %add3A_888 = arith.addi %mul3A_887, %add3A_881 : vector<16xi32>
      %swap3A_889 = arith.constant 3 : i32
      %swap3A_890 = arith.index_cast %swap3A_889 : i32 to index
      %swap3A_891 = arith.constant 48 : index
      %swap3A_892 = tpu.vector_load %arg7[%swap3A_890, %swap3A_891] {strides = array<i32>} : memref<4x128xi32, #tpu.memory_space<vmem>>, vector<1x16xi32>,
      %swap3A_893 = vector.shape_cast %swap3A_892 : vector<1x16xi32> to vector<16xi32>
      %swap3A_894 = vector.shape_cast %add3A_888 : vector<16xi32> to vector<1x16xi32>
      tpu.vector_store %arg7[%swap3A_890, %swap3A_891], %swap3A_894 {strides = array<i32>} : memref<4x128xi32, #tpu.memory_space<vmem>>, vector<1x16xi32>,
      %add3A_895 = arith.constant 8 : i32
      %add3A_896 = vector.broadcast %add3A_895 : i32 to vector<16xi32>
      %add3A_897 = arith.addi %and3A_4, %add3A_896 : vector<16xi32>
      %add3A_898 = arith.constant 0 : i32
      %add3A_899 = vector.broadcast %add3A_898 : i32 to vector<16xi32>
      %add3A_900 = arith.addi %shift_right_logical3A_6, %add3A_899 : vector<16xi32>
      %broadcast_in_dim3A_901 = vector.shape_cast %add3A_897 : vector<16xi32> to vector<16x1xi32>
      %gather3A_902 = vector.shape_cast %broadcast_in_dim3A_901 : vector<16x1xi32> to vector<16xi32>
      %gather3A_903 = tpu.dynamic_gather %get3A_818[%gather3A_902] in [0] : vector<16xi32>, vector<16xi32> -> vector<16xi32>
      %mul3A_904 = arith.constant 8 : i32
      %mul3A_905 = vector.broadcast %mul3A_904 : i32 to vector<16xi32>
      %mul3A_906 = arith.muli %gather3A_903, %mul3A_905 : vector<16xi32>
      %add3A_907 = arith.addi %mul3A_906, %add3A_900 : vector<16xi32>
      %swap3A_908 = arith.constant 3 : i32
      %swap3A_909 = arith.index_cast %swap3A_908 : i32 to index
      %swap3A_910 = arith.constant 64 : index
      %swap3A_911 = tpu.vector_load %arg7[%swap3A_909, %swap3A_910] {strides = array<i32>} : memref<4x128xi32, #tpu.memory_space<vmem>>, vector<1x16xi32>,
      %swap3A_912 = vector.shape_cast %swap3A_911 : vector<1x16xi32> to vector<16xi32>
      %swap3A_913 = vector.shape_cast %add3A_907 : vector<16xi32> to vector<1x16xi32>
      tpu.vector_store %arg7[%swap3A_909, %swap3A_910], %swap3A_913 {strides = array<i32>} : memref<4x128xi32, #tpu.memory_space<vmem>>, vector<1x16xi32>,
      %add3A_914 = arith.constant 8 : i32
      %add3A_915 = vector.broadcast %add3A_914 : i32 to vector<16xi32>
      %add3A_916 = arith.addi %and3A_4, %add3A_915 : vector<16xi32>
      %add3A_917 = arith.constant 4 : i32
      %add3A_918 = vector.broadcast %add3A_917 : i32 to vector<16xi32>
      %add3A_919 = arith.addi %shift_right_logical3A_6, %add3A_918 : vector<16xi32>
      %broadcast_in_dim3A_920 = vector.shape_cast %add3A_916 : vector<16xi32> to vector<16x1xi32>
      %gather3A_921 = vector.shape_cast %broadcast_in_dim3A_920 : vector<16x1xi32> to vector<16xi32>
      %gather3A_922 = tpu.dynamic_gather %get3A_818[%gather3A_921] in [0] : vector<16xi32>, vector<16xi32> -> vector<16xi32>
      %mul3A_923 = arith.constant 8 : i32
      %mul3A_924 = vector.broadcast %mul3A_923 : i32 to vector<16xi32>
      %mul3A_925 = arith.muli %gather3A_922, %mul3A_924 : vector<16xi32>
      %add3A_926 = arith.addi %mul3A_925, %add3A_919 : vector<16xi32>
      %swap3A_927 = arith.constant 3 : i32
      %swap3A_928 = arith.index_cast %swap3A_927 : i32 to index
      %swap3A_929 = arith.constant 80 : index
      %swap3A_930 = tpu.vector_load %arg7[%swap3A_928, %swap3A_929] {strides = array<i32>} : memref<4x128xi32, #tpu.memory_space<vmem>>, vector<1x16xi32>,
      %swap3A_931 = vector.shape_cast %swap3A_930 : vector<1x16xi32> to vector<16xi32>
      %swap3A_932 = vector.shape_cast %add3A_926 : vector<16xi32> to vector<1x16xi32>
      tpu.vector_store %arg7[%swap3A_928, %swap3A_929], %swap3A_932 {strides = array<i32>} : memref<4x128xi32, #tpu.memory_space<vmem>>, vector<1x16xi32>,
      %add3A_933 = arith.constant 12 : i32
      %add3A_934 = vector.broadcast %add3A_933 : i32 to vector<16xi32>
      %add3A_935 = arith.addi %and3A_4, %add3A_934 : vector<16xi32>
      %add3A_936 = arith.constant 0 : i32
      %add3A_937 = vector.broadcast %add3A_936 : i32 to vector<16xi32>
      %add3A_938 = arith.addi %shift_right_logical3A_6, %add3A_937 : vector<16xi32>
      %broadcast_in_dim3A_939 = vector.shape_cast %add3A_935 : vector<16xi32> to vector<16x1xi32>
      %gather3A_940 = vector.shape_cast %broadcast_in_dim3A_939 : vector<16x1xi32> to vector<16xi32>
      %gather3A_941 = tpu.dynamic_gather %get3A_818[%gather3A_940] in [0] : vector<16xi32>, vector<16xi32> -> vector<16xi32>
      %mul3A_942 = arith.constant 8 : i32
      %mul3A_943 = vector.broadcast %mul3A_942 : i32 to vector<16xi32>
      %mul3A_944 = arith.muli %gather3A_941, %mul3A_943 : vector<16xi32>
      %add3A_945 = arith.addi %mul3A_944, %add3A_938 : vector<16xi32>
      %swap3A_946 = arith.constant 3 : i32
      %swap3A_947 = arith.index_cast %swap3A_946 : i32 to index
      %swap3A_948 = arith.constant 96 : index
      %swap3A_949 = tpu.vector_load %arg7[%swap3A_947, %swap3A_948] {strides = array<i32>} : memref<4x128xi32, #tpu.memory_space<vmem>>, vector<1x16xi32>,
      %swap3A_950 = vector.shape_cast %swap3A_949 : vector<1x16xi32> to vector<16xi32>
      %swap3A_951 = vector.shape_cast %add3A_945 : vector<16xi32> to vector<1x16xi32>
      tpu.vector_store %arg7[%swap3A_947, %swap3A_948], %swap3A_951 {strides = array<i32>} : memref<4x128xi32, #tpu.memory_space<vmem>>, vector<1x16xi32>,
      %add3A_952 = arith.constant 12 : i32
      %add3A_953 = vector.broadcast %add3A_952 : i32 to vector<16xi32>
      %add3A_954 = arith.addi %and3A_4, %add3A_953 : vector<16xi32>
      %add3A_955 = arith.constant 4 : i32
      %add3A_956 = vector.broadcast %add3A_955 : i32 to vector<16xi32>
      %add3A_957 = arith.addi %shift_right_logical3A_6, %add3A_956 : vector<16xi32>
      %broadcast_in_dim3A_958 = vector.shape_cast %add3A_954 : vector<16xi32> to vector<16x1xi32>
      %gather3A_959 = vector.shape_cast %broadcast_in_dim3A_958 : vector<16x1xi32> to vector<16xi32>
      %gather3A_960 = tpu.dynamic_gather %get3A_818[%gather3A_959] in [0] : vector<16xi32>, vector<16xi32> -> vector<16xi32>
      %mul3A_961 = arith.constant 8 : i32
      %mul3A_962 = vector.broadcast %mul3A_961 : i32 to vector<16xi32>
      %mul3A_963 = arith.muli %gather3A_960, %mul3A_962 : vector<16xi32>
      %add3A_964 = arith.addi %mul3A_963, %add3A_957 : vector<16xi32>
      %swap3A_965 = arith.constant 3 : i32
      %swap3A_966 = arith.index_cast %swap3A_965 : i32 to index
      %swap3A_967 = arith.constant 112 : index
      %swap3A_968 = tpu.vector_load %arg7[%swap3A_966, %swap3A_967] {strides = array<i32>} : memref<4x128xi32, #tpu.memory_space<vmem>>, vector<1x16xi32>,
      %swap3A_969 = vector.shape_cast %swap3A_968 : vector<1x16xi32> to vector<16xi32>
      %swap3A_970 = vector.shape_cast %add3A_964 : vector<16xi32> to vector<1x16xi32>
      tpu.vector_store %arg7[%swap3A_966, %swap3A_967], %swap3A_970 {strides = array<i32>} : memref<4x128xi32, #tpu.memory_space<vmem>>, vector<1x16xi32>,
      %dma_start3A_971 = arith.constant 3 : i32
      %dma_start3A_972 = arith.constant 3 : i32
      %dma_start3A_973 = arith.constant 3 : i32
      %dma_start3A_974 = arith.constant 0 : i32
      %dma_start3A_975 = arith.constant 0 : i32
      %dma_start3A_976 = tpu.memref_slice %arg8[%dma_start3A_972, %dma_start3A_974, %dma_start3A_975] : memref<4x128x128xf32, #tpu.memory_space<vmem>> -> memref<1x128x128xf32, #tpu.memory_space<vmem>>
      %dma_start3A_977 = tpu.memref_squeeze %dma_start3A_976 : memref<1x128x128xf32, #tpu.memory_space<vmem>> -> memref<128x128xf32, #tpu.memory_space<vmem>>
      %dma_start3A_978 = arith.constant 0 : i32
      %dma_start3A_979 = tpu.memref_slice %arg7[%dma_start3A_971, %dma_start3A_978] : memref<4x128xi32, #tpu.memory_space<vmem>> -> memref<1x128xi32, #tpu.memory_space<vmem>>
      %dma_start3A_980 = tpu.memref_squeeze %dma_start3A_979 : memref<1x128xi32, #tpu.memory_space<vmem>> -> memref<128xi32, #tpu.memory_space<vmem>>
      %dma_start3A_981 = arith.constant 0 : i32
      %dma_start3A_982 = arith.constant 0 : i32
      %dma_start3A_983 = tpu.memref_slice %arg4[%dma_start3A_981, %dma_start3A_982] : memref<32768x128xf32, #tpu.memory_space<hbm>> -> memref<32768x128xf32, #tpu.memory_space<hbm>>
      %dma_start3A_984 = tpu.memref_slice %arg10[%dma_start3A_973] : memref<4x!tpu.dma_semaphore, #tpu.memory_space<semaphore_mem>> -> memref<1x!tpu.dma_semaphore, #tpu.memory_space<semaphore_mem>>
      %dma_start3A_985 = tpu.memref_squeeze %dma_start3A_984 : memref<1x!tpu.dma_semaphore, #tpu.memory_space<semaphore_mem>> -> memref<!tpu.dma_semaphore, #tpu.memory_space<semaphore_mem>>
      tpu.enqueue_indirect_dma source(%dma_start3A_983 : memref<32768x128xf32, #tpu.memory_space<hbm>>) target(%dma_start3A_977 : memref<128x128xf32, #tpu.memory_space<vmem>>) offsets(%dma_start3A_980 : memref<128xi32, #tpu.memory_space<vmem>>) semaphore(%dma_start3A_985 : memref<!tpu.dma_semaphore, #tpu.memory_space<semaphore_mem>>) {add = true}
      %add3A_986 = arith.constant 4 : i32
      %add3A_987 = arith.addi %add3A_790, %add3A_986 : i32
      %sub3A_988 = arith.constant 2 : i32
      %sub3A_989 = arith.subi %add3A_987, %sub3A_988 : i32
      %lt3A_990 = arith.constant 32 : i32
      %lt3A_991 = arith.cmpi slt, %sub3A_989, %lt3A_990 : i32
      %convert_element_type3A_992 = arith.extui %lt3A_991 : i1 to i32
      %cond3A_993 = arith.constant 0 : i32
      %cond3A_994 = arith.cmpi ne, %convert_element_type3A_992, %cond3A_993 : i32
      scf.if %cond3A_994 {
        %ge3A_1000 = arith.constant 4 : i32
        %ge3A_1001 = arith.cmpi sge, %sub3A_989, %ge3A_1000 : i32
        %convert_element_type3A_1002 = arith.extui %ge3A_1001 : i1 to i32
        %cond3A_1003 = arith.constant 0 : i32
        %cond3A_1004 = arith.cmpi ne, %convert_element_type3A_1002, %cond3A_1003 : i32
        scf.if %cond3A_1004 {
          %dma_wait3A_1024 = arith.constant 1 : i32
          %dma_wait3A_1025 = arith.constant 1 : i32
          %dma_wait3A_1026 = arith.constant 0 : i32
          %dma_wait3A_1027 = arith.constant 0 : i32
          %dma_wait3A_1028 = tpu.memref_slice %arg8[%dma_wait3A_1024, %dma_wait3A_1026, %dma_wait3A_1027] : memref<4x128x128xf32, #tpu.memory_space<vmem>> -> memref<1x128x128xf32, #tpu.memory_space<vmem>>
          %dma_wait3A_1029 = tpu.memref_squeeze %dma_wait3A_1028 : memref<1x128x128xf32, #tpu.memory_space<vmem>> -> memref<128x128xf32, #tpu.memory_space<vmem>>
          %dma_wait3A_1030 = arith.constant 0 : i32
          %dma_wait3A_1031 = arith.constant 0 : i32
          %dma_wait3A_1032 = tpu.memref_slice %arg5[%dma_wait3A_1030, %dma_wait3A_1031] : memref<131072x128xf32, #tpu.memory_space<hbm>> -> memref<128x128xf32, #tpu.memory_space<hbm>>
          %dma_wait3A_1033 = tpu.memref_slice %arg11[%dma_wait3A_1025] : memref<4x!tpu.dma_semaphore, #tpu.memory_space<semaphore_mem>> -> memref<1x!tpu.dma_semaphore, #tpu.memory_space<semaphore_mem>>
          %dma_wait3A_1034 = tpu.memref_squeeze %dma_wait3A_1033 : memref<1x!tpu.dma_semaphore, #tpu.memory_space<semaphore_mem>> -> memref<!tpu.dma_semaphore, #tpu.memory_space<semaphore_mem>>
          %dma_wait3A_1035 = arith.constant 0 : i32
          %dma_wait3A_1036 = arith.constant 0 : i32
          %dma_wait3A_1037 = tpu.memref_slice %arg5[%dma_wait3A_1035, %dma_wait3A_1036] : memref<131072x128xf32, #tpu.memory_space<hbm>> -> memref<128x128xf32, #tpu.memory_space<hbm>>
          %dma_wait3A_1038 = arith.constant 0 : i32
          %dma_wait3A_1039 = arith.constant 0 : i32
          %dma_wait3A_1040 = tpu.memref_slice %arg8[%dma_wait3A_1024, %dma_wait3A_1038, %dma_wait3A_1039] : memref<4x128x128xf32, #tpu.memory_space<vmem>> -> memref<1x128x128xf32, #tpu.memory_space<vmem>>
          %dma_wait3A_1041 = tpu.memref_squeeze %dma_wait3A_1040 : memref<1x128x128xf32, #tpu.memory_space<vmem>> -> memref<128x128xf32, #tpu.memory_space<vmem>>
          tpu.wait_dma2 semaphore(%dma_wait3A_1034 : memref<!tpu.dma_semaphore, #tpu.memory_space<semaphore_mem>>) src(%dma_wait3A_1041 : memref<128x128xf32, #tpu.memory_space<vmem>>) dst(%dma_wait3A_1037 : memref<128x128xf32, #tpu.memory_space<hbm>>)
        } else {
        }
        %mul3A_1005 = arith.constant 128 : i32
        %mul3A_1006 = arith.muli %sub3A_989, %mul3A_1005 : i32
        %add3A_1007 = arith.addi %mul3A_2, %mul3A_1006 : i32
        %dma_start3A_1008 = arith.constant 1 : i32
        %dma_start3A_1009 = arith.constant 1 : i32
        %dma_start3A_1010 = arith.constant 0 : i32
        %dma_start3A_1011 = arith.constant 0 : i32
        %dma_start3A_1012 = tpu.memref_slice %arg8[%dma_start3A_1008, %dma_start3A_1010, %dma_start3A_1011] : memref<4x128x128xf32, #tpu.memory_space<vmem>> -> memref<1x128x128xf32, #tpu.memory_space<vmem>>
        %dma_start3A_1013 = tpu.memref_squeeze %dma_start3A_1012 : memref<1x128x128xf32, #tpu.memory_space<vmem>> -> memref<128x128xf32, #tpu.memory_space<vmem>>
        %dma_start3A_1014 = arith.constant 0 : i32
        %dma_start3A_1015 = tpu.memref_slice %arg2[%add3A_1007, %dma_start3A_1014] : memref<131072x128xf32, #tpu.memory_space<hbm>> -> memref<128x128xf32, #tpu.memory_space<hbm>>
        %dma_start3A_1016 = tpu.memref_slice %arg9[%dma_start3A_1009] : memref<4x!tpu.dma_semaphore, #tpu.memory_space<semaphore_mem>> -> memref<1x!tpu.dma_semaphore, #tpu.memory_space<semaphore_mem>>
        %dma_start3A_1017 = tpu.memref_squeeze %dma_start3A_1016 : memref<1x!tpu.dma_semaphore, #tpu.memory_space<semaphore_mem>> -> memref<!tpu.dma_semaphore, #tpu.memory_space<semaphore_mem>>
        %dma_start3A_1018 = arith.constant 0 : i32
        %dma_start3A_1019 = arith.constant 0 : i32
        %dma_start3A_1020 = tpu.memref_slice %arg8[%dma_start3A_1008, %dma_start3A_1018, %dma_start3A_1019] : memref<4x128x128xf32, #tpu.memory_space<vmem>> -> memref<1x128x128xf32, #tpu.memory_space<vmem>>
        %dma_start3A_1021 = tpu.memref_squeeze %dma_start3A_1020 : memref<1x128x128xf32, #tpu.memory_space<vmem>> -> memref<128x128xf32, #tpu.memory_space<vmem>>
        %dma_start3A_1022 = arith.constant 0 : i32
        %dma_start3A_1023 = tpu.memref_slice %arg2[%add3A_1007, %dma_start3A_1022] : memref<131072x128xf32, #tpu.memory_space<hbm>> -> memref<128x128xf32, #tpu.memory_space<hbm>>
        tpu.enqueue_dma source(%dma_start3A_1023 : memref<128x128xf32, #tpu.memory_space<hbm>>) target(%dma_start3A_1021 : memref<128x128xf32, #tpu.memory_space<vmem>>) target_semaphore(%dma_start3A_1017 : memref<!tpu.dma_semaphore, #tpu.memory_space<semaphore_mem>>)
      } else {
      }
      %ge3A_995 = arith.constant 1 : i32
      %ge3A_996 = arith.cmpi sge, %add3A_790, %ge3A_995 : i32
      %convert_element_type3A_997 = arith.extui %ge3A_996 : i1 to i32
      %cond3A_998 = arith.constant 0 : i32
      %cond3A_999 = arith.cmpi ne, %convert_element_type3A_997, %cond3A_998 : i32
      scf.if %cond3A_999 {
        %dma_wait3A_1000 = arith.constant 2 : i32
        %dma_wait3A_1001 = arith.constant 2 : i32
        %dma_wait3A_1002 = arith.constant 0 : i32
        %dma_wait3A_1003 = arith.constant 0 : i32
        %dma_wait3A_1004 = tpu.memref_slice %arg8[%dma_wait3A_1000, %dma_wait3A_1002, %dma_wait3A_1003] : memref<4x128x128xf32, #tpu.memory_space<vmem>> -> memref<1x128x128xf32, #tpu.memory_space<vmem>>
        %dma_wait3A_1005 = tpu.memref_squeeze %dma_wait3A_1004 : memref<1x128x128xf32, #tpu.memory_space<vmem>> -> memref<128x128xf32, #tpu.memory_space<vmem>>
        %dma_wait3A_1006 = arith.constant 0 : i32
        %dma_wait3A_1007 = arith.constant 0 : i32
        %dma_wait3A_1008 = tpu.memref_slice %arg2[%dma_wait3A_1006, %dma_wait3A_1007] : memref<131072x128xf32, #tpu.memory_space<hbm>> -> memref<128x128xf32, #tpu.memory_space<hbm>>
        %dma_wait3A_1009 = tpu.memref_slice %arg10[%dma_wait3A_1001] : memref<4x!tpu.dma_semaphore, #tpu.memory_space<semaphore_mem>> -> memref<1x!tpu.dma_semaphore, #tpu.memory_space<semaphore_mem>>
        %dma_wait3A_1010 = tpu.memref_squeeze %dma_wait3A_1009 : memref<1x!tpu.dma_semaphore, #tpu.memory_space<semaphore_mem>> -> memref<!tpu.dma_semaphore, #tpu.memory_space<semaphore_mem>>
        %dma_wait3A_1011 = arith.constant 0 : i32
        %dma_wait3A_1012 = arith.constant 0 : i32
        %dma_wait3A_1013 = tpu.memref_slice %arg8[%dma_wait3A_1000, %dma_wait3A_1011, %dma_wait3A_1012] : memref<4x128x128xf32, #tpu.memory_space<vmem>> -> memref<1x128x128xf32, #tpu.memory_space<vmem>>
        %dma_wait3A_1014 = tpu.memref_squeeze %dma_wait3A_1013 : memref<1x128x128xf32, #tpu.memory_space<vmem>> -> memref<128x128xf32, #tpu.memory_space<vmem>>
        %dma_wait3A_1015 = arith.constant 0 : i32
        %dma_wait3A_1016 = arith.constant 0 : i32
        %dma_wait3A_1017 = tpu.memref_slice %arg2[%dma_wait3A_1015, %dma_wait3A_1016] : memref<131072x128xf32, #tpu.memory_space<hbm>> -> memref<128x128xf32, #tpu.memory_space<hbm>>
        tpu.wait_dma2 semaphore(%dma_wait3A_1010 : memref<!tpu.dma_semaphore, #tpu.memory_space<semaphore_mem>>) src(%dma_wait3A_1017 : memref<128x128xf32, #tpu.memory_space<hbm>>) dst(%dma_wait3A_1014 : memref<128x128xf32, #tpu.memory_space<vmem>>)
        %sub3A_1018 = arith.constant 1 : i32
        %sub3A_1019 = arith.subi %add3A_790, %sub3A_1018 : i32
        %mul3A_1020 = arith.constant 128 : i32
        %mul3A_1021 = arith.muli %sub3A_1019, %mul3A_1020 : i32
        %add3A_1022 = arith.addi %mul3A_2, %mul3A_1021 : i32
        %dma_start3A_1023 = arith.constant 2 : i32
        %dma_start3A_1024 = arith.constant 2 : i32
        %dma_start3A_1025 = arith.constant 0 : i32
        %dma_start3A_1026 = arith.constant 0 : i32
        %dma_start3A_1027 = tpu.memref_slice %arg8[%dma_start3A_1023, %dma_start3A_1025, %dma_start3A_1026] : memref<4x128x128xf32, #tpu.memory_space<vmem>> -> memref<1x128x128xf32, #tpu.memory_space<vmem>>
        %dma_start3A_1028 = tpu.memref_squeeze %dma_start3A_1027 : memref<1x128x128xf32, #tpu.memory_space<vmem>> -> memref<128x128xf32, #tpu.memory_space<vmem>>
        %dma_start3A_1029 = arith.constant 0 : i32
        %dma_start3A_1030 = tpu.memref_slice %arg5[%add3A_1022, %dma_start3A_1029] : memref<131072x128xf32, #tpu.memory_space<hbm>> -> memref<128x128xf32, #tpu.memory_space<hbm>>
        %dma_start3A_1031 = tpu.memref_slice %arg11[%dma_start3A_1024] : memref<4x!tpu.dma_semaphore, #tpu.memory_space<semaphore_mem>> -> memref<1x!tpu.dma_semaphore, #tpu.memory_space<semaphore_mem>>
        %dma_start3A_1032 = tpu.memref_squeeze %dma_start3A_1031 : memref<1x!tpu.dma_semaphore, #tpu.memory_space<semaphore_mem>> -> memref<!tpu.dma_semaphore, #tpu.memory_space<semaphore_mem>>
        %dma_start3A_1033 = arith.constant 0 : i32
        %dma_start3A_1034 = tpu.memref_slice %arg5[%add3A_1022, %dma_start3A_1033] : memref<131072x128xf32, #tpu.memory_space<hbm>> -> memref<128x128xf32, #tpu.memory_space<hbm>>
        %dma_start3A_1035 = arith.constant 0 : i32
        %dma_start3A_1036 = arith.constant 0 : i32
        %dma_start3A_1037 = tpu.memref_slice %arg8[%dma_start3A_1023, %dma_start3A_1035, %dma_start3A_1036] : memref<4x128x128xf32, #tpu.memory_space<vmem>> -> memref<1x128x128xf32, #tpu.memory_space<vmem>>
        %dma_start3A_1038 = tpu.memref_squeeze %dma_start3A_1037 : memref<1x128x128xf32, #tpu.memory_space<vmem>> -> memref<128x128xf32, #tpu.memory_space<vmem>>
        tpu.enqueue_dma source(%dma_start3A_1038 : memref<128x128xf32, #tpu.memory_space<vmem>>) target(%dma_start3A_1034 : memref<128x128xf32, #tpu.memory_space<hbm>>) target_semaphore(%dma_start3A_1032 : memref<!tpu.dma_semaphore, #tpu.memory_space<semaphore_mem>>)
      } else {
      }
    }
    %scan3A_48 = arith.constant 8 : i32
    %dma_wait3A = arith.constant 3 : i32
    %dma_wait3A_49 = arith.constant 3 : i32
    %dma_wait3A_50 = arith.constant 0 : i32
    %dma_wait3A_51 = arith.constant 0 : i32
    %dma_wait3A_52 = tpu.memref_slice %arg8[%dma_wait3A, %dma_wait3A_50, %dma_wait3A_51] : memref<4x128x128xf32, #tpu.memory_space<vmem>> -> memref<1x128x128xf32, #tpu.memory_space<vmem>>
    %dma_wait3A_53 = tpu.memref_squeeze %dma_wait3A_52 : memref<1x128x128xf32, #tpu.memory_space<vmem>> -> memref<128x128xf32, #tpu.memory_space<vmem>>
    %dma_wait3A_54 = arith.constant 0 : i32
    %dma_wait3A_55 = arith.constant 0 : i32
    %dma_wait3A_56 = tpu.memref_slice %arg2[%dma_wait3A_54, %dma_wait3A_55] : memref<131072x128xf32, #tpu.memory_space<hbm>> -> memref<128x128xf32, #tpu.memory_space<hbm>>
    %dma_wait3A_57 = tpu.memref_slice %arg10[%dma_wait3A_49] : memref<4x!tpu.dma_semaphore, #tpu.memory_space<semaphore_mem>> -> memref<1x!tpu.dma_semaphore, #tpu.memory_space<semaphore_mem>>
    %dma_wait3A_58 = tpu.memref_squeeze %dma_wait3A_57 : memref<1x!tpu.dma_semaphore, #tpu.memory_space<semaphore_mem>> -> memref<!tpu.dma_semaphore, #tpu.memory_space<semaphore_mem>>
    %dma_wait3A_59 = arith.constant 0 : i32
    %dma_wait3A_60 = arith.constant 0 : i32
    %dma_wait3A_61 = tpu.memref_slice %arg8[%dma_wait3A, %dma_wait3A_59, %dma_wait3A_60] : memref<4x128x128xf32, #tpu.memory_space<vmem>> -> memref<1x128x128xf32, #tpu.memory_space<vmem>>
    %dma_wait3A_62 = tpu.memref_squeeze %dma_wait3A_61 : memref<1x128x128xf32, #tpu.memory_space<vmem>> -> memref<128x128xf32, #tpu.memory_space<vmem>>
    %dma_wait3A_63 = arith.constant 0 : i32
    %dma_wait3A_64 = arith.constant 0 : i32
    %dma_wait3A_65 = tpu.memref_slice %arg2[%dma_wait3A_63, %dma_wait3A_64] : memref<131072x128xf32, #tpu.memory_space<hbm>> -> memref<128x128xf32, #tpu.memory_space<hbm>>
    tpu.wait_dma2 semaphore(%dma_wait3A_58 : memref<!tpu.dma_semaphore, #tpu.memory_space<semaphore_mem>>) src(%dma_wait3A_65 : memref<128x128xf32, #tpu.memory_space<hbm>>) dst(%dma_wait3A_62 : memref<128x128xf32, #tpu.memory_space<vmem>>)
    %add3A_66 = arith.constant 3968 : i32
    %add3A_67 = arith.addi %mul3A_2, %add3A_66 : i32
    %dma_start3A_68 = arith.constant 3 : i32
    %dma_start3A_69 = arith.constant 3 : i32
    %dma_start3A_70 = arith.constant 0 : i32
    %dma_start3A_71 = arith.constant 0 : i32
    %dma_start3A_72 = tpu.memref_slice %arg8[%dma_start3A_68, %dma_start3A_70, %dma_start3A_71] : memref<4x128x128xf32, #tpu.memory_space<vmem>> -> memref<1x128x128xf32, #tpu.memory_space<vmem>>
    %dma_start3A_73 = tpu.memref_squeeze %dma_start3A_72 : memref<1x128x128xf32, #tpu.memory_space<vmem>> -> memref<128x128xf32, #tpu.memory_space<vmem>>
    %dma_start3A_74 = arith.constant 0 : i32
    %dma_start3A_75 = tpu.memref_slice %arg5[%add3A_67, %dma_start3A_74] : memref<131072x128xf32, #tpu.memory_space<hbm>> -> memref<128x128xf32, #tpu.memory_space<hbm>>
    %dma_start3A_76 = tpu.memref_slice %arg11[%dma_start3A_69] : memref<4x!tpu.dma_semaphore, #tpu.memory_space<semaphore_mem>> -> memref<1x!tpu.dma_semaphore, #tpu.memory_space<semaphore_mem>>
    %dma_start3A_77 = tpu.memref_squeeze %dma_start3A_76 : memref<1x!tpu.dma_semaphore, #tpu.memory_space<semaphore_mem>> -> memref<!tpu.dma_semaphore, #tpu.memory_space<semaphore_mem>>
    %dma_start3A_78 = arith.constant 0 : i32
    %dma_start3A_79 = tpu.memref_slice %arg5[%add3A_67, %dma_start3A_78] : memref<131072x128xf32, #tpu.memory_space<hbm>> -> memref<128x128xf32, #tpu.memory_space<hbm>>
    %dma_start3A_80 = arith.constant 0 : i32
    %dma_start3A_81 = arith.constant 0 : i32
    %dma_start3A_82 = tpu.memref_slice %arg8[%dma_start3A_68, %dma_start3A_80, %dma_start3A_81] : memref<4x128x128xf32, #tpu.memory_space<vmem>> -> memref<1x128x128xf32, #tpu.memory_space<vmem>>
    %dma_start3A_83 = tpu.memref_squeeze %dma_start3A_82 : memref<1x128x128xf32, #tpu.memory_space<vmem>> -> memref<128x128xf32, #tpu.memory_space<vmem>>
    tpu.enqueue_dma source(%dma_start3A_83 : memref<128x128xf32, #tpu.memory_space<vmem>>) target(%dma_start3A_79 : memref<128x128xf32, #tpu.memory_space<hbm>>) target_semaphore(%dma_start3A_77 : memref<!tpu.dma_semaphore, #tpu.memory_space<semaphore_mem>>)
    %dma_wait3A_84 = arith.constant 0 : i32
    %dma_wait3A_85 = arith.constant 0 : i32
    %dma_wait3A_86 = arith.constant 0 : i32
    %dma_wait3A_87 = arith.constant 0 : i32
    %dma_wait3A_88 = tpu.memref_slice %arg8[%dma_wait3A_84, %dma_wait3A_86, %dma_wait3A_87] : memref<4x128x128xf32, #tpu.memory_space<vmem>> -> memref<1x128x128xf32, #tpu.memory_space<vmem>>
    %dma_wait3A_89 = tpu.memref_squeeze %dma_wait3A_88 : memref<1x128x128xf32, #tpu.memory_space<vmem>> -> memref<128x128xf32, #tpu.memory_space<vmem>>
    %dma_wait3A_90 = arith.constant 0 : i32
    %dma_wait3A_91 = arith.constant 0 : i32
    %dma_wait3A_92 = tpu.memref_slice %arg5[%dma_wait3A_90, %dma_wait3A_91] : memref<131072x128xf32, #tpu.memory_space<hbm>> -> memref<128x128xf32, #tpu.memory_space<hbm>>
    %dma_wait3A_93 = tpu.memref_slice %arg11[%dma_wait3A_85] : memref<4x!tpu.dma_semaphore, #tpu.memory_space<semaphore_mem>> -> memref<1x!tpu.dma_semaphore, #tpu.memory_space<semaphore_mem>>
    %dma_wait3A_94 = tpu.memref_squeeze %dma_wait3A_93 : memref<1x!tpu.dma_semaphore, #tpu.memory_space<semaphore_mem>> -> memref<!tpu.dma_semaphore, #tpu.memory_space<semaphore_mem>>
    %dma_wait3A_95 = arith.constant 0 : i32
    %dma_wait3A_96 = arith.constant 0 : i32
    %dma_wait3A_97 = tpu.memref_slice %arg5[%dma_wait3A_95, %dma_wait3A_96] : memref<131072x128xf32, #tpu.memory_space<hbm>> -> memref<128x128xf32, #tpu.memory_space<hbm>>
    %dma_wait3A_98 = arith.constant 0 : i32
    %dma_wait3A_99 = arith.constant 0 : i32
    %dma_wait3A_100 = tpu.memref_slice %arg8[%dma_wait3A_84, %dma_wait3A_98, %dma_wait3A_99] : memref<4x128x128xf32, #tpu.memory_space<vmem>> -> memref<1x128x128xf32, #tpu.memory_space<vmem>>
    %dma_wait3A_101 = tpu.memref_squeeze %dma_wait3A_100 : memref<1x128x128xf32, #tpu.memory_space<vmem>> -> memref<128x128xf32, #tpu.memory_space<vmem>>
    tpu.wait_dma2 semaphore(%dma_wait3A_94 : memref<!tpu.dma_semaphore, #tpu.memory_space<semaphore_mem>>) src(%dma_wait3A_101 : memref<128x128xf32, #tpu.memory_space<vmem>>) dst(%dma_wait3A_97 : memref<128x128xf32, #tpu.memory_space<hbm>>)
    %dma_wait3A_102 = arith.constant 1 : i32
    %dma_wait3A_103 = arith.constant 1 : i32
    %dma_wait3A_104 = arith.constant 0 : i32
    %dma_wait3A_105 = arith.constant 0 : i32
    %dma_wait3A_106 = tpu.memref_slice %arg8[%dma_wait3A_102, %dma_wait3A_104, %dma_wait3A_105] : memref<4x128x128xf32, #tpu.memory_space<vmem>> -> memref<1x128x128xf32, #tpu.memory_space<vmem>>
    %dma_wait3A_107 = tpu.memref_squeeze %dma_wait3A_106 : memref<1x128x128xf32, #tpu.memory_space<vmem>> -> memref<128x128xf32, #tpu.memory_space<vmem>>
    %dma_wait3A_108 = arith.constant 0 : i32
    %dma_wait3A_109 = arith.constant 0 : i32
    %dma_wait3A_110 = tpu.memref_slice %arg5[%dma_wait3A_108, %dma_wait3A_109] : memref<131072x128xf32, #tpu.memory_space<hbm>> -> memref<128x128xf32, #tpu.memory_space<hbm>>
    %dma_wait3A_111 = tpu.memref_slice %arg11[%dma_wait3A_103] : memref<4x!tpu.dma_semaphore, #tpu.memory_space<semaphore_mem>> -> memref<1x!tpu.dma_semaphore, #tpu.memory_space<semaphore_mem>>
    %dma_wait3A_112 = tpu.memref_squeeze %dma_wait3A_111 : memref<1x!tpu.dma_semaphore, #tpu.memory_space<semaphore_mem>> -> memref<!tpu.dma_semaphore, #tpu.memory_space<semaphore_mem>>
    %dma_wait3A_113 = arith.constant 0 : i32
    %dma_wait3A_114 = arith.constant 0 : i32
    %dma_wait3A_115 = tpu.memref_slice %arg5[%dma_wait3A_113, %dma_wait3A_114] : memref<131072x128xf32, #tpu.memory_space<hbm>> -> memref<128x128xf32, #tpu.memory_space<hbm>>
    %dma_wait3A_116 = arith.constant 0 : i32
    %dma_wait3A_117 = arith.constant 0 : i32
    %dma_wait3A_118 = tpu.memref_slice %arg8[%dma_wait3A_102, %dma_wait3A_116, %dma_wait3A_117] : memref<4x128x128xf32, #tpu.memory_space<vmem>> -> memref<1x128x128xf32, #tpu.memory_space<vmem>>
    %dma_wait3A_119 = tpu.memref_squeeze %dma_wait3A_118 : memref<1x128x128xf32, #tpu.memory_space<vmem>> -> memref<128x128xf32, #tpu.memory_space<vmem>>
    tpu.wait_dma2 semaphore(%dma_wait3A_112 : memref<!tpu.dma_semaphore, #tpu.memory_space<semaphore_mem>>) src(%dma_wait3A_119 : memref<128x128xf32, #tpu.memory_space<vmem>>) dst(%dma_wait3A_115 : memref<128x128xf32, #tpu.memory_space<hbm>>)
    %dma_wait3A_120 = arith.constant 2 : i32
    %dma_wait3A_121 = arith.constant 2 : i32
    %dma_wait3A_122 = arith.constant 0 : i32
    %dma_wait3A_123 = arith.constant 0 : i32
    %dma_wait3A_124 = tpu.memref_slice %arg8[%dma_wait3A_120, %dma_wait3A_122, %dma_wait3A_123] : memref<4x128x128xf32, #tpu.memory_space<vmem>> -> memref<1x128x128xf32, #tpu.memory_space<vmem>>
    %dma_wait3A_125 = tpu.memref_squeeze %dma_wait3A_124 : memref<1x128x128xf32, #tpu.memory_space<vmem>> -> memref<128x128xf32, #tpu.memory_space<vmem>>
    %dma_wait3A_126 = arith.constant 0 : i32
    %dma_wait3A_127 = arith.constant 0 : i32
    %dma_wait3A_128 = tpu.memref_slice %arg5[%dma_wait3A_126, %dma_wait3A_127] : memref<131072x128xf32, #tpu.memory_space<hbm>> -> memref<128x128xf32, #tpu.memory_space<hbm>>
    %dma_wait3A_129 = tpu.memref_slice %arg11[%dma_wait3A_121] : memref<4x!tpu.dma_semaphore, #tpu.memory_space<semaphore_mem>> -> memref<1x!tpu.dma_semaphore, #tpu.memory_space<semaphore_mem>>
    %dma_wait3A_130 = tpu.memref_squeeze %dma_wait3A_129 : memref<1x!tpu.dma_semaphore, #tpu.memory_space<semaphore_mem>> -> memref<!tpu.dma_semaphore, #tpu.memory_space<semaphore_mem>>
    %dma_wait3A_131 = arith.constant 0 : i32
    %dma_wait3A_132 = arith.constant 0 : i32
    %dma_wait3A_133 = tpu.memref_slice %arg5[%dma_wait3A_131, %dma_wait3A_132] : memref<131072x128xf32, #tpu.memory_space<hbm>> -> memref<128x128xf32, #tpu.memory_space<hbm>>
    %dma_wait3A_134 = arith.constant 0 : i32
    %dma_wait3A_135 = arith.constant 0 : i32
    %dma_wait3A_136 = tpu.memref_slice %arg8[%dma_wait3A_120, %dma_wait3A_134, %dma_wait3A_135] : memref<4x128x128xf32, #tpu.memory_space<vmem>> -> memref<1x128x128xf32, #tpu.memory_space<vmem>>
    %dma_wait3A_137 = tpu.memref_squeeze %dma_wait3A_136 : memref<1x128x128xf32, #tpu.memory_space<vmem>> -> memref<128x128xf32, #tpu.memory_space<vmem>>
    tpu.wait_dma2 semaphore(%dma_wait3A_130 : memref<!tpu.dma_semaphore, #tpu.memory_space<semaphore_mem>>) src(%dma_wait3A_137 : memref<128x128xf32, #tpu.memory_space<vmem>>) dst(%dma_wait3A_133 : memref<128x128xf32, #tpu.memory_space<hbm>>)
    %dma_wait3A_138 = arith.constant 3 : i32
    %dma_wait3A_139 = arith.constant 3 : i32
    %dma_wait3A_140 = arith.constant 0 : i32
    %dma_wait3A_141 = arith.constant 0 : i32
    %dma_wait3A_142 = tpu.memref_slice %arg8[%dma_wait3A_138, %dma_wait3A_140, %dma_wait3A_141] : memref<4x128x128xf32, #tpu.memory_space<vmem>> -> memref<1x128x128xf32, #tpu.memory_space<vmem>>
    %dma_wait3A_143 = tpu.memref_squeeze %dma_wait3A_142 : memref<1x128x128xf32, #tpu.memory_space<vmem>> -> memref<128x128xf32, #tpu.memory_space<vmem>>
    %dma_wait3A_144 = arith.constant 0 : i32
    %dma_wait3A_145 = arith.constant 0 : i32
    %dma_wait3A_146 = tpu.memref_slice %arg5[%dma_wait3A_144, %dma_wait3A_145] : memref<131072x128xf32, #tpu.memory_space<hbm>> -> memref<128x128xf32, #tpu.memory_space<hbm>>
    %dma_wait3A_147 = tpu.memref_slice %arg11[%dma_wait3A_139] : memref<4x!tpu.dma_semaphore, #tpu.memory_space<semaphore_mem>> -> memref<1x!tpu.dma_semaphore, #tpu.memory_space<semaphore_mem>>
    %dma_wait3A_148 = tpu.memref_squeeze %dma_wait3A_147 : memref<1x!tpu.dma_semaphore, #tpu.memory_space<semaphore_mem>> -> memref<!tpu.dma_semaphore, #tpu.memory_space<semaphore_mem>>
    %dma_wait3A_149 = arith.constant 0 : i32
    %dma_wait3A_150 = arith.constant 0 : i32
    %dma_wait3A_151 = tpu.memref_slice %arg5[%dma_wait3A_149, %dma_wait3A_150] : memref<131072x128xf32, #tpu.memory_space<hbm>> -> memref<128x128xf32, #tpu.memory_space<hbm>>
    %dma_wait3A_152 = arith.constant 0 : i32
    %dma_wait3A_153 = arith.constant 0 : i32
    %dma_wait3A_154 = tpu.memref_slice %arg8[%dma_wait3A_138, %dma_wait3A_152, %dma_wait3A_153] : memref<4x128x128xf32, #tpu.memory_space<vmem>> -> memref<1x128x128xf32, #tpu.memory_space<vmem>>
    %dma_wait3A_155 = tpu.memref_squeeze %dma_wait3A_154 : memref<1x128x128xf32, #tpu.memory_space<vmem>> -> memref<128x128xf32, #tpu.memory_space<vmem>>
    tpu.wait_dma2 semaphore(%dma_wait3A_148 : memref<!tpu.dma_semaphore, #tpu.memory_space<semaphore_mem>>) src(%dma_wait3A_155 : memref<128x128xf32, #tpu.memory_space<vmem>>) dst(%dma_wait3A_151 : memref<128x128xf32, #tpu.memory_space<hbm>>)
    return
  }
}

</mosaic_0001>

<sc_bundles>
// kernel: _sc_add_gather.3.cloned.1.call-start
scs
__scs_entry_jumppad:
0x0: {  	(pc) =	sbr.rel $0x88, $3  }
0x1: {  	(tag) =	ssettag $0x0;
	lr =	simm.s32 $0x1  }
0x2: {  	[smem:$0x3F9E] =	sst lr;
	_ =	strace $0xD0000000  }
0x3: {  	_ = 	snop  }
0x4: {  	_ = 	snop  }
0x5: {  	_ = 	snop  }
0x6: {  	_ = 	snop  }
0x7: {  	_ = 	snop  }
__scs_overlays_trampoline_lowered:
0x8: {  	[smem:$0x3FAD] =	sst s0  }
0x9: {  	[smem:$0x3FAE] =	sst s1  }
0xa: {  	[smem:$0x3FAF] =	sst s2  }
0xb: {  	[smem:$0x3FB0] =	sst s3  }
0xc: {  	[smem:$0x3FB1] =	sst s4  }
0xd: {  	[smem:$0x3FB2] =	sst s5  }
0xe: {  	[smem:$0x3FB3] =	sst s6  }
0xf: {  	[smem:$0x3FB4] =	sst s7  }
0x10: {  	[smem:$0x3FB5] =	sst s8  }
0x11: {  	[smem:$0x3FB6] =	sst s9;
	s0 =	simm.s32 @!p0 $0x0  }
0x12: {  	s1 =	sld [smem:$0x3F9C];
	s0 =	simm.s32 @p0 $0x1  }
0x13: {  	[smem:$0x3FB7] =	sst s0;
	s0 =	simm.s32 @!p1 $0x0  }
0x14: {  	s2 =	sld [smem:$0x3F9B];
	s0 =	simm.s32 @p1 $0x1  }
0x15: {  	[smem:$0x3FB8] =	sst s0;
	s0 =	simm.s32 @!p2 $0x0  }
0x16: {  	s3 =	sld [smem:$0x3FDB];
	s0 =	simm.s32 @p2 $0x1  }
0x17: {  	s4 =	simm.s32 $0x1BF5;
	[smem:$0x3FBA] =	sst s0  }
0x18: {  	s0 =	sld [smem:$0x3F9D];
	_ =	swait.ge [sflag:s4], $0x0  }
0x19: {  	s7 =	sld [smem:$0x3F9E]  }
0x1a: {  	s8 =	sadd.s32 $0xFFFFE003, lr  }
0x1b: {  	s9 =	sadd.s32 $0xFFFFFEF7, lr;
	s5 =	simm.s32 $0xFFFFFFFF;
	p2 =	slt.u32 s8, $0xFFFFF086  }
0x1c: {  	p1 =	slt.u32 s9, $0xF7A;
	s5 =	simm.s32 @!p2 $0x0  }
0x1d: {  	s5 =	simm.s32 @p1 $0x1;
	p0 =	seq.s32 s7, s2  }
0x1e: {  	s7 =	smul.u32 @!p0 $0xF7A, s2;
	p2 =	seq.s32 @!p0 s5, $0x0  }
0x1f: {  	s9 =	smul.u32 $0xF7A, s1;
	s8 =	simm.s32 @!p0 $0x1BF5;
	p2 =	por !p2, p0  }
0x20: {  	[sflag:s8] =	ssyncset.s32 @!p0 $0xFFFFF086;
	s6 =	sadd.s32 @!p0 s3, s7;
	s7 =	simm.s32 @!p0 $0x108  }
0x21: {  	s3 =	sadd.s32 s3, s9;
	s6 =	sadd.s32 @!p0 $0x88, s6;
	s7 =	simm.s32 @p2 $0x1082  }
0x22: {  	[simem:s7], [sflag:s8] =	dma.local @!p0 [hbm:s6], $0xF7A  }
0x23: {  	s9 =	sor.u32 $0xD0000000, s2;
	s6 =	simm.s32 $0x108;
	_ =	swait.ge @!p0 [sflag:s8], $0x0  }
0x24: {  	s3 =	sadd.s32 $0x88, s3;
	s6 =	simm.s32 @!p1 $0x1082;
	[sflag:s4] =	ssyncset.s32 $0xFFFFF086  }
0x25: {  	[simem:s6], [sflag:s4] =	dma.local [hbm:s3], $0xF7A  }
0x26: {  	[smem:$0x3F9E] =	sst s1;
	(tag) =	ssettag s2;
	_ =	strace s9  }
0x27: {  	s1 =	sld [smem:$0x3FAE]  }
0x28: {  	s2 =	sld [smem:$0x3FAF]  }
0x29: {  	s4 =	sld [smem:$0x3FB1]  }
0x2a: {  	p0 =	seq.s32 s5, $0x0;
	s5 =	sld [smem:$0x3FB2]  }
0x2b: {  	s6 =	sld [smem:$0x3FB3]  }
0x2c: {  	s7 =	sld [smem:$0x3FB4]  }
0x2d: {  	s3 =	simm.s32 $0x108;
	s8 =	sld [smem:$0x3FB5]  }
0x2e: {  	s3 =	simm.s32 @!p0 $0x1082;
	s9 =	sld [smem:$0x3FB6]  }
0x2f: {  	lr =	sadd.s32 s0, s3;
	s0 =	sld [smem:$0x3FAD]  }
0x30: {  	s3 =	sld [smem:$0x3FB0]  }
0x31: {  	[smem:$0x3FB9] =	sst s10  }
0x32: {  	s10 =	sld [smem:$0x3FB7];
	_ =	sdelay $0x3  }
0x33: {  	p0 =	seq.s32 s10, $0x1;
	s10 =	sld [smem:$0x3FB9];
	_ =	sdelay $0x3  }
0x34: {  	[smem:$0x3FB9] =	sst s10  }
0x35: {  	s10 =	sld [smem:$0x3FB8];
	_ =	sdelay $0x3  }
0x36: {  	p1 =	seq.s32 s10, $0x1;
	s10 =	sld [smem:$0x3FB9];
	_ =	sdelay $0x3  }
0x37: {  	[smem:$0x3FB9] =	sst s10  }
0x38: {  	s10 =	sld [smem:$0x3FBA]  }
0x39: {  	_ = 	snop;
	(pc) =	sbr.ind lr, $3  }
0x3a: {  	_ = 	snop  }
0x3b: {  	_ = 	snop  }
0x3c: {  	p2 =	seq.s32 s10, $0x1;
	s10 =	sld [smem:$0x3FB9]  }
0x3d: {  	_ =	shalt  }
0x3e: {  	_ =	shalt  }
0x3f: {  	_ =	shalt  }
0x40: {  	_ =	shalt  }
0x41: {  	_ =	shalt  }
0x42: {  	_ =	shalt  }
0x43: {  	_ =	shalt  }
0x44: {  	_ =	shalt  }
0x45: {  	_ =	shalt  }
0x46: {  	_ =	shalt  }
0x47: {  	_ =	shalt  }
0x48: {  	_ =	shalt  }
0x49: {  	_ =	shalt  }
0x4a: {  	_ =	shalt  }
0x4b: {  	_ =	shalt  }
0x4c: {  	_ =	shalt  }
0x4d: {  	_ =	shalt  }
0x4e: {  	_ =	shalt  }
0x4f: {  	_ =	shalt  }
0x50: {  	_ =	shalt  }
0x51: {  	_ =	shalt  }
0x52: {  	_ =	shalt  }
0x53: {  	_ =	shalt  }
0x54: {  	_ =	shalt  }
0x55: {  	_ =	shalt  }
0x56: {  	_ =	shalt  }
0x57: {  	_ =	shalt  }
0x58: {  	_ =	shalt  }
0x59: {  	_ =	shalt  }
0x5a: {  	_ =	shalt  }
0x5b: {  	_ =	shalt  }
0x5c: {  	_ =	shalt  }
0x5d: {  	_ =	shalt  }
0x5e: {  	_ =	shalt  }
0x5f: {  	_ =	shalt  }
0x60: {  	_ =	shalt  }
0x61: {  	_ =	shalt  }
0x62: {  	_ =	shalt  }
0x63: {  	_ =	shalt  }
0x64: {  	_ =	shalt  }
0x65: {  	_ =	shalt  }
0x66: {  	_ =	shalt  }
0x67: {  	_ =	shalt  }
0x68: {  	_ =	shalt  }
0x69: {  	_ =	shalt  }
0x6a: {  	_ =	shalt  }
0x6b: {  	_ =	shalt  }
0x6c: {  	_ =	shalt  }
0x6d: {  	_ =	shalt  }
0x6e: {  	_ =	shalt  }
0x6f: {  	_ =	shalt  }
0x70: {  	_ =	shalt  }
0x71: {  	_ =	shalt  }
0x72: {  	_ =	shalt  }
0x73: {  	_ =	shalt  }
0x74: {  	_ =	shalt  }
0x75: {  	_ =	shalt  }
0x76: {  	_ =	shalt  }
0x77: {  	_ =	shalt  }
0x78: {  	_ =	shalt  }
0x79: {  	_ =	shalt  }
0x7a: {  	_ =	shalt  }
0x7b: {  	_ =	shalt  }
0x7c: {  	_ =	shalt  }
0x7d: {  	_ =	shalt  }
0x7e: {  	_ =	shalt  }
0x7f: {  	_ =	shalt  }
0x80: {  	_ =	shalt  }
0x81: {  	_ =	shalt  }
0x82: {  	_ =	shalt  }
0x83: {  	_ =	shalt  }
0x84: {  	_ =	shalt  }
0x85: {  	_ =	shalt  }
0x86: {  	_ =	shalt  }
0x87: {  	_ =	shalt  }
.Lfunc_end0:
.L_simem_size_0:
called_computation_lowered:
.L_overlay_start_0:
0x88: {  	s2 =	sld [smem:$0x3FD9]  }
0x89: {  	s3 =	sld [smem:$0x3FFE];
	_ =	sdelay $0x1  }
0x8a: {  	s1 =	srdreg.scid  }
0x8b: {  	s0 =	sand.u32 $0x1, s1  }
0x8c: {  	s18 =	sshll.u32 s0, $0xA;
	s2 =	sadd.s32 s3, s2  }
0x8d: {  	s2 =	sadd.s32 s2, s18  }
0x8e: {  	[smem:$0x3FC5] =	sst s2  }
0x8f: {  	_ = 	snop  }
0x90: {  	s2 =	sld [smem:$0x3FC9]  }
0x91: {  	s19 =	sld [smem:$0x3FC8]  }
0x92: {  	s4 =	sld [smem:$0x3FC7]  }
0x93: {  	s5 =	sld [smem:$0x3FD0];
	(tm) =	ssettm $0x1  }
0x94: {  	s6 =	sld [smem:$0x3FFB];
	_ =	sdelay $0x3  }
0x95: {  	_ =	strace s6  }
0x96: {  	s6 =	sld [smem:$0x3FFC];
	_ =	sdelay $0x3  }
0x97: {  	_ =	strace s6  }
0x98: {  	s6 =	sld [smem:$0x3FFD];
	_ =	sdelay $0x3  }
0x99: {  	_ =	strace s6  }
0x9a: {  	_ =	strace $0x8FFFFFFF  }
0x9b: {  	s20 =	sld [smem:$0x3FDB];
	_ =	sdelay $0x1  }
0x9c: {  	s7 =	simm.s32 $_scs_section_size  }
0x9d: {  	s8 =	simm.s32 $_size__tile_overlayer_lowered;
	s9 =	simm.s32 $_tile_overlayer_lowered  }
0x9e: {  	s23 =	simm.s32 $0x1BFF;
	s22 =	sshll.u32 s9, $0x1;
	s6 =	sadd.s32 s7, s20  }
0x9f: {  	s10 =	simm.s32 $0x0;
	s21 =	sshll.u32 s8, $0x1;
	s8 =	sadd.s32 s22, s6  }
0xa0: {  	[timem:s10], [sflag:s23] =	dma.local [hbm:s8], s21  }
0xa1: {  	_ =	swait.ge [sflag:s23], s21  }
0xa2: {  	s7 =	ssub.s32 $0x0, s21;
	[sflag:s23] =	ssyncset.done $0x0  }
0xa3: {  	[sflag:s23] =	ssyncadd.s32 s7;
	_ =	sdelay $0x1  }
0xa4: {  	s24 =	simm.s32 $0x1B8B  }
0xa5: {  	_ =	swait.ge [sflag:s24], $0x1  }
0xa6: {  	[sflag:s24] =	ssyncset.done $0x0  }
0xa7: {  	s25 =	simm.s32 $0x1B8E;
	[sflag:s24] =	ssyncadd.s32 $0xFFFFFFFF  }
0xa8: {  	s26 =	simm.s32 $execute0_lowered;
	[smem:$0x3FD2] =	sst s25  }
0xa9: {  	s7 =	sshll.u32 s26, $0x1;
	_ =	strace $0x80000046;
	[dreg:$0x1] =	wrdreg $0xFFFFFFFF  }
0xaa: {  	s28 =	simm.s32 $_size_execute0_lowered;
	s6 =	sadd.s32 s6, s7;
	[dreg:$0x0] =	wrdreg $0x0  }
0xab: {  	s7 =	sshll.u32 s28, $0x1;
	[dreg:$0x2] =	wrdreg s6  }
0xac: {  	[dreg:$0x3] =	wrdreg s7  }
0xad: {  	[dreg:$0x4] =	wrdreg $0xC0  }
0xae: {  	_ =	task [dreg:s10], $0x5FFFF  }
0xaf: {  	[dreg:$0x1] =	wrdreg $0xFFFFFFFF  }
0xb0: {  	[dreg:$0x0] =	wrdreg $0x60  }
0xb1: {  	[dreg:$0x2] =	wrdreg s2  }
0xb2: {  	[dreg:$0x3] =	wrdreg s19  }
0xb3: {  	[dreg:$0x4] =	wrdreg s4  }
0xb4: {  	[dreg:$0x5] =	wrdreg s5  }
0xb5: {  	[dreg:$0x6] =	wrdreg $0x9  }
0xb6: {  	_ =	task.clear_ibuf [dreg:s10], $0x7FFFF;
	_ =	strace $0x90000046  }
0xb7: {  	s29 =	simm.s32 $0x9;
	_ =	strace $0x80000048  }
0xb8: {  	_ =	swait.ge [sflag:s29], $0x1  }
0xb9: {  	[sflag:s29] =	ssyncadd.s32 $0xFFFFFFFF  }
0xba: {  	_ =	strace $0x90000048  }
0xbb: {  	_ =	sfence  }
0xbc: {  	s30 =	sld [smem:$0x0];
	_ =	sdelay $0x2  }
0xbd: {  	s31 =	sshll.u32 s1, $0xD;
	s1 =	sshrl.u32 s1, $0x2  }
0xbe: {  	s3 =	sand.u32 $0x4000, s31;
	s1 =	sadd.s32 s1, s30  }
0xbf: {  	s0 =	sor.u32 s3, s0;
	s1 =	sshll.u32 s1, $0x11  }
0xc0: {  	s0 =	sor.u32 s1, s0  }
0xc1: {  	s0 =	sadd.s32 $0x8F2B, s0  }
0xc2: {  	[sflag:s0] =	ssyncadd.remote.s32 $0x1  }
0xc3: {  	_ =	sfence.sel $0xFFFF  }
0xc4: {  	[dreg:$0x0] =	wrdreg $0xFFFFFFFF;
	(pc) =	sbr.abs _section_cstart, $3  }
0xc5: {  	[dreg:$0x1] =	wrdreg $0xFFFFFFFF  }
0xc6: {  	_ =	task.clear_ibuf [dreg:s10], $0x2FFFF;
	_ =	strace $0x9FFFFFFF  }
0xc7: {  	(tm) =	ssettm $0x7FFFFFFF  }
tec
execute0_lowered:
.L_overlay_start_1:
0x0: {  	(tag) =	ssettag $0x1  }
0x1: {  	s0 =	rddreg [dreg:$0x0]  }
0x2: {  	s3 =	rddreg [dreg:$0x1]  }
0x3: {  	s1 =	rddreg [dreg:$0x2]  }
0x4: {  	s4 =	rddreg [dreg:$0x3]  }
0x5: {  	s2 =	simm.s32 $0x0;
	s5 =	srdreg.scid;
	s9 =	stileid.u32  }
0x6: {  	s12 =	simm.s32 $0x4400;
	s14 =	simm.s32 $0x1;
	s15 =	simm.s32 $0x80  }
0x7: {  	s24 =	simm.s32 $0x200;
	s16 =	simm.s32 $0x8400;
	s25 =	simm.s32 $0x280  }
0x8: {  	s17 =	simm.s32 $0x2;
	s18 =	simm.s32 $0xC400;
	s26 =	simm.s32 $0x300  }
0x9: {  	s31 =	simm.s32 $0x380;
	s28 =	simm.s32 $0xB;
	s29 =	simm.s32 $0xC  }
0xa: {  	s30 =	simm.s32 $0x0;
	[smem:$0x7FF] =	sst s2;
	s5 =	sand.u32 $0x1, s5  }
0xb: {  	s8 =	sshll.u32 s9, $0x11;
	_ =	strace $0x80000047;
	[dreg:$0x5] =	wrdreg s24  }
0xc: {  	s9 =	sshll.u32 s9, $0x7;
	s6 =	ssub.s32 $0x2, s5;
	[dreg:$0x6] =	wrdreg s25  }
0xd: {  	s10 =	sshll.u32 s5, $0x10;
	s5 =	sshll.u32 s5, $0x6;
	[dreg:$0x7] =	wrdreg s26  }
0xe: {  	s22 =	sadd.s32 s8, s4;
	[dreg:$0x8] =	wrdreg s31;
	s26 =	simm.s32 $0xA  }
0xf: {  	s7 =	sshrl.u32 s6, $0x1;
	s19 =	sor.u32 s10, s8;
	s3 =	sadd.s32 s3, s5  }
0x10: {  	s6 =	ssub.s32 s6, s7;
	s11 =	sadd.s32 s0, s19;
	s3 =	sadd.s32 s9, s3  }
0x11: {  	s21 =	sadd.s32 s19, s4;
	s0 =	sadd.s32 s8, s0;
	s9 =	sadd.s32 s10, s22  }
0x12: {  	s19 =	simm.s32 $0x5;
	s22 =	simm.s32 $0x4;
	[dreg:$0x9] =	wrdreg s11  }
0x13: {  	s20 =	sadd.s32 $0x800, s11;
	[dreg:$0xb] =	wrdreg s3;
	s3 =	sadd.s32 $0xF800, s21  }
0x14: {  	v5 =	vlaneseq.u32;
	s23 =	smax.u32 s6, $0x1;
	s10 =	sadd.s32 s10, s0;
	[dreg:$0xa] =	wrdreg s20  }
0x15: {  	v0 =	vshrl.u32 v5, $0x2;
	v1 =	vand.u32 $0x3, v5;
	v5 =	vor.u32 $0xC, v5;
	s11 =	simm.s32 $0x400;
	s21 =	simm.s32 $0x6;
	[dreg:$0xc] =	wrdreg s3  }
0x16: {  	v2 =	vor.u32 $0x4, v0;
	v3 =	vor.u32 $0x4, v1;
	v4 =	vor.u32 $0x8, v1;
	[dreg:$0xd] =	wrdreg s23;
	s20 =	simm.s32 $0x3;
	s23 =	simm.s32 $0x7  }
.LBB2_1:
0x17: {  	s0 =	rddreg [dreg:$0x9]  }
0x18: {  	[tilespmem:s11], [sflag:$0x1] =	stream.linear.gather [hbm4b:s0+s2], $0x4000, $0x38;
	[tilespmem:$0x10400] =	vst v63  }
0x19: {  	s25 =	rddreg [dreg:$0xa]  }
0x1a: {  	[tilespmem:s12], [sflag:$0x2] =	stream.linear.gather [hbm4b:s25+s2], $0x4000, $0x38;
	[tilespmem:$0x10400] =	vst v63  }
0x1b: {  	s3 =	rddreg [dreg:$0xb];
	s4 =	simm.s32 $0xD  }
0x1c: {  	[tilespmem:s2], [sflag:$0xD] =	stream.linear.gather [hbm4b:s3+s2], $0x200, $0x38;
	[tilespmem:$0x10400] =	vst v63  }
0x1d: {  	_ =	swait.ge [sflag:s4], $0x200  }
0x1e: {  	[sflag:s4] =	ssyncset.done $0x0  }
0x1f: {  	[sflag:s4] =	ssyncadd.s32 $0xFFFFFE00  }
0x20: {  	_ =	swait.ge [sflag:s14], $0x4000  }
0x21: {  	[sflag:s14] =	ssyncset.done $0x0  }
0x22: {  	s5 =	sand.u32 $0x1C0, s2;
	[sflag:s14] =	ssyncadd.s32 $0xFFFFC000  }
0x23: {  	v6 =	vld [tilespmem:s5+$0x0];
	_ =	sdelay $0x4  }
0x24: {  	v7 =	vperm.xlane v6, v5;
	_ =	sdelay $0x1  }
0x25: {  	v8 =	vperm.xlane v6, v4;
	v7 =	vshll.u32 v7, $0x3  }
0x26: {  	v9 =	vperm.xlane v6, v3;
	v10 =	vor.u32 v0, v7  }
0x27: {  	v8 =	vshll.u32 v8, $0x3;
	v7 =	vor.u32 v2, v7;
	[tilespmem:$0x260] =	vst v10  }
0x28: {  	v6 =	vperm.xlane v6, v1;
	v9 =	vshll.u32 v9, $0x3;
	v59 =	vor.u32 v0, v8;
	[tilespmem:$0x270] =	vst v7  }
0x29: {  	v7 =	vor.u32 v0, v9;
	[tilespmem:$0x240] =	vst v59  }
0x2a: {  	v6 =	vshll.u32 v6, $0x3;
	v9 =	vor.u32 v2, v9;
	[tilespmem:$0x220] =	vst v7  }
0x2b: {  	v7 =	vor.u32 v2, v6;
	[tilespmem:$0x230] =	vst v9  }
0x2c: {  	v6 =	vor.u32 v0, v6;
	[tilespmem:$0x210] =	vst v7  }
0x2d: {  	p0 =	por $0x1, $0x1;
	v7 =	vor.u32 v2, v8;
	[tilespmem:$0x200] =	vst v6  }
0x2e: {  	s3 =	simm.s32 @!p0 $0xB;
	s6 =	rddreg [dreg:$0x5];
	[tilespmem:$0x250] =	vst v7  }
0x2f: {  	[tilespmem:s11], [sflag:$0x5] =	stream.indirect.gather.add.f32 [hbm:s1], $0x80, s6, s15, $0xb8;
	[tilespmem:$0x10400] =	vst v63  }
0x30: {  	_ =	swait.ge @!p0 [sflag:s3], $0x4000  }
0x31: {  	s7 =	sadd.s32 $0x0, s10;
	[sflag:s3] =	ssyncset.done @!p0 $0x0  }
0x32: {  	s8 =	sadd.s32 $0x1000, s7;
	s4 =	simm.s32 @!p0 $0x8;
	[sflag:s3] =	ssyncadd.s32 @!p0 $0xFFFFC000  }
0x33: {  	[tilespmem:s16], [sflag:$0x3] =	stream.linear.gather [hbm4b:s8+s2], $0x4000, $0x38;
	[tilespmem:$0x10400] =	vst v63  }
0x34: {  	_ =	swait.ge @!p0 [sflag:s4], $0x4000  }
0x35: {  	s5 =	simm.s32 @!p0 $0x0;
	s3 =	sadd.s32 @!p0 $0x0, s9;
	[sflag:s4] =	ssyncset.done @!p0 $0x0  }
0x36: {  	s6 =	simm.s32 @!p0 $0xC400;
	s3 =	sadd.s32 @!p0 $0xFFFFF800, s3;
	[sflag:s4] =	ssyncadd.s32 @!p0 $0xFFFFC000  }
0x37: {  	[hbm4b:s3+s5] =	stream.linear.scatter @!p0 [tilespmem:s6], [sflag:$0xC], $0x4000, $0x38;
	[tilespmem:$0x10400] =	vst v63  }
0x38: {  	s13 =	simm.s32 $0x10;
	_ =	swait.ge [sflag:s17], $0x4000  }
0x39: {  	s6 =	sand.u32 $0x180, s2;
	s3 =	sand.u32 $0x50, s13;
	[sflag:s17] =	ssyncset.done $0x0  }
0x3a: {  	s3 =	sadd.s32 s3, s6;
	[sflag:s17] =	ssyncadd.s32 $0xFFFFC000  }
0x3b: {  	v6 =	vld [tilespmem:s3+$0x0];
	_ =	sdelay $0x4  }
0x3c: {  	v7 =	vperm.xlane v6, v5  }
0x3d: {  	v8 =	vperm.xlane v6, v3  }
0x3e: {  	v7 =	vshll.u32 v7, $0x3  }
0x3f: {  	v60 =	vperm.xlane v6, v4;
	v8 =	vshll.u32 v8, $0x3;
	v61 =	vor.u32 v0, v7  }
0x40: {  	v6 =	vperm.xlane v6, v1;
	v11 =	vor.u32 v0, v8;
	[tilespmem:$0x2E0] =	vst v61  }
0x41: {  	v9 =	vshll.u32 v60, $0x3;
	v8 =	vor.u32 v2, v8;
	[tilespmem:$0x2A0] =	vst v11  }
0x42: {  	v6 =	vshll.u32 v6, $0x3;
	v62 =	vor.u32 v0, v9;
	[tilespmem:$0x2B0] =	vst v8  }
0x43: {  	v63 =	vor.u32 v0, v6;
	[tilespmem:$0x2C0] =	vst v62  }
0x44: {  	v6 =	vor.u32 v2, v6;
	[tilespmem:$0x280] =	vst v63  }
0x45: {  	v8 =	vor.u32 v2, v9;
	[tilespmem:$0x290] =	vst v6  }
0x46: {  	v6 =	vor.u32 v2, v7;
	[tilespmem:$0x2D0] =	vst v8  }
0x47: {  	s4 =	simm.s32 @!p0 $0xC;
	s24 =	rddreg [dreg:$0x6];
	[tilespmem:$0x2F0] =	vst v6  }
0x48: {  	[tilespmem:s12], [sflag:$0x6] =	stream.indirect.gather.add.f32 [hbm:s1], $0x80, s24, s15, $0xb8;
	[tilespmem:$0x10400] =	vst v63  }
0x49: {  	_ =	swait.ge @!p0 [sflag:s4], $0x4000  }
0x4a: {  	[sflag:s4] =	ssyncset.done @!p0 $0x0  }
0x4b: {  	s0 =	sadd.s32 $0x1800, s7;
	[sflag:s4] =	ssyncadd.s32 @!p0 $0xFFFFC000  }
0x4c: {  	[tilespmem:s18], [sflag:$0x4] =	stream.linear.gather [hbm4b:s0+s2], $0x4000, $0x38;
	[tilespmem:$0x10400] =	vst v63  }
0x4d: {  	_ =	swait.ge [sflag:s19], $0x4000  }
0x4e: {  	[sflag:s19] =	ssyncset.done $0x0  }
0x4f: {  	s7 =	sadd.s32 $0x0, s9;
	[sflag:s19] =	ssyncadd.s32 $0xFFFFC000  }
0x50: {  	[hbm4b:s7+s2] =	stream.linear.scatter [tilespmem:s11], [sflag:$0x9], $0x4000, $0x38;
	[tilespmem:$0x10400] =	vst v63  }
0x51: {  	s25 =	simm.s32 $0x20;
	_ =	swait.ge [sflag:s20], $0x4000  }
0x52: {  	s0 =	sand.u32 $0x60, s25;
	[sflag:s20] =	ssyncset.done $0x0  }
0x53: {  	s31 =	simm.s32 $0x30;
	s0 =	sadd.s32 s0, s6;
	[sflag:s20] =	ssyncadd.s32 $0xFFFFC000  }
0x54: {  	s5 =	simm.s32 $0x0;
	s3 =	simm.s32 $0x2000;
	v6 =	vld [tilespmem:s0+$0x0];
	s0 =	simm.s32 $0x0  }
.LBB2_2:
0x55: {  	_ =	sdelay $0x3  }
0x56: {  	v7 =	vperm.xlane v6, v4;
	_ =	sdelay $0x1  }
0x57: {  	v8 =	vperm.xlane v6, v5;
	v9 =	vperm.xlane v6, v1;
	v7 =	vshll.u32 v7, $0x3  }
0x58: {  	v6 =	vperm.xlane v6, v3;
	v10 =	vor.u32 v0, v7;
	v7 =	vor.u32 v2, v7  }
0x59: {  	v8 =	vshll.u32 v8, $0x3;
	[tilespmem:$0x350] =	vst v7  }
0x5a: {  	v6 =	vshll.u32 v6, $0x3;
	v11 =	vor.u32 v2, v8;
	[tilespmem:$0x340] =	vst v10  }
0x5b: {  	v12 =	vor.u32 v0, v6;
	[tilespmem:$0x370] =	vst v11  }
0x5c: {  	v6 =	vor.u32 v2, v6;
	[tilespmem:$0x320] =	vst v12  }
0x5d: {  	v9 =	vshll.u32 v9, $0x3;
	v7 =	vor.u32 v0, v8;
	[tilespmem:$0x330] =	vst v6  }
0x5e: {  	v8 =	vor.u32 v0, v9;
	[tilespmem:$0x360] =	vst v7  }
0x5f: {  	v9 =	vor.u32 v2, v9;
	[tilespmem:$0x300] =	vst v8  }
0x60: {  	s4 =	rddreg [dreg:$0x7];
	p1 =	seq.s32 s0, $0xE000;
	[tilespmem:$0x310] =	vst v9  }
0x61: {  	[tilespmem:s16], [sflag:$0x7] =	stream.indirect.gather.add.f32 [hbm:s1], $0x80, s4, s15, $0xb8;
	[tilespmem:$0x10400] =	vst v63  }
0x62: {  	s4 =	simm.s32 @!p1 $0x9  }
0x63: {  	_ =	swait.ge @!p1 [sflag:s4], $0x4000  }
0x64: {  	s0 =	sadd.s32 @!p1 s0, s10;
	s25 =	simm.s32 @!p1 $0x400;
	[sflag:s4] =	ssyncset.done @!p1 $0x0  }
0x65: {  	s8 =	simm.s32 @!p1 $0x0;
	[sflag:s4] =	ssyncadd.s32 @!p1 $0xFFFFC000;
	s4 =	sadd.s32 @!p1 $0x2000, s0  }
0x66: {  	[tilespmem:s25], [sflag:$0x1] =	stream.linear.gather @!p1 [hbm4b:s4+s8], $0x4000, $0x38;
	[tilespmem:$0x10400] =	vst v63  }
0x67: {  	_ =	swait.ge [sflag:s21], $0x4000  }
0x68: {  	[sflag:s21] =	ssyncset.done $0x0  }
0x69: {  	s25 =	sadd.s32 $0x800, s7;
	[sflag:s21] =	ssyncadd.s32 $0xFFFFC000  }
0x6a: {  	[hbm4b:s25+s2] =	stream.linear.scatter [tilespmem:s12], [sflag:$0xA], $0x4000, $0x38;
	[tilespmem:$0x10400] =	vst v63  }
0x6b: {  	_ =	swait.ge [sflag:s22], $0x4000  }
0x6c: {  	s25 =	sand.u32 $0x70, s31;
	[sflag:s22] =	ssyncset.done $0x0  }
0x6d: {  	s6 =	sadd.s32 s25, s6;
	[sflag:s22] =	ssyncadd.s32 $0xFFFFC000  }
0x6e: {  	v6 =	vld [tilespmem:s6+$0x0];
	_ =	sdelay $0x4  }
0x6f: {  	v8 =	vperm.xlane v6, v3  }
0x70: {  	v50 =	vperm.xlane v6, v4  }
0x71: {  	v7 =	vperm.xlane v6, v1;
	v8 =	vshll.u32 v8, $0x3  }
0x72: {  	v6 =	vperm.xlane v6, v5;
	v9 =	vshll.u32 v50, $0x3;
	v51 =	vor.u32 v0, v8  }
0x73: {  	v7 =	vshll.u32 v7, $0x3;
	v52 =	vor.u32 v0, v9;
	[tilespmem:$0x3A0] =	vst v51  }
0x74: {  	v6 =	vshll.u32 v6, $0x3;
	v54 =	vor.u32 v0, v7;
	[tilespmem:$0x3C0] =	vst v52  }
0x75: {  	v53 =	vor.u32 v0, v6;
	[tilespmem:$0x380] =	vst v54  }
0x76: {  	v7 =	vor.u32 v2, v7;
	[tilespmem:$0x3E0] =	vst v53  }
0x77: {  	v6 =	vor.u32 v2, v6;
	[tilespmem:$0x390] =	vst v7  }
0x78: {  	v9 =	vor.u32 v2, v9;
	[tilespmem:$0x3F0] =	vst v6  }
0x79: {  	s24 =	smov.u32 s3;
	s4 =	sadd.s32 @!p1 $0x2800, s0;
	v8 =	vor.u32 v2, v8;
	[tilespmem:$0x3D0] =	vst v9  }
0x7a: {  	s0 =	smov.u32 s24;
	s24 =	simm.s32 @!p1 $0xA;
	s25 =	rddreg [dreg:$0x8];
	[tilespmem:$0x3B0] =	vst v8  }
0x7b: {  	[tilespmem:s18], [sflag:$0x8] =	stream.indirect.gather.add.f32 [hbm:s1], $0x80, s25, s15, $0xb8;
	[tilespmem:$0x10400] =	vst v63  }
0x7c: {  	s5 =	sadd.s32 $0x40, s5;
	_ =	swait.ge @!p1 [sflag:s24], $0x4000  }
0x7d: {  	s13 =	sadd.s32 $0x30, s5;
	[sflag:s24] =	ssyncset.done @!p1 $0x0  }
0x7e: {  	s31 =	smov.u32 s13;
	s13 =	simm.s32 @!p1 $0x4400;
	[sflag:s24] =	ssyncadd.s32 @!p1 $0xFFFFC000  }
0x7f: {  	[tilespmem:s13], [sflag:$0x2] =	stream.linear.gather @!p1 [hbm4b:s4+s8], $0x4000, $0x38;
	[tilespmem:$0x10400] =	vst v63  }
0x80: {  	_ =	swait.ge [sflag:s23], $0x4000  }
0x81: {  	[sflag:s23] =	ssyncset.done $0x0  }
0x82: {  	s24 =	sadd.s32 $0x1000, s7;
	[sflag:s23] =	ssyncadd.s32 $0xFFFFC000  }
0x83: {  	[hbm4b:s24+s2] =	stream.linear.scatter [tilespmem:s16], [sflag:$0xB], $0x4000, $0x38;
	[tilespmem:$0x10400] =	vst v63  }
0x84: {  	_ =	swait.ge [sflag:s14], $0x4000  }
0x85: {  	[sflag:s14] =	ssyncset.done $0x0  }
0x86: {  	s6 =	sand.u32 $0x1C0, s5;
	[sflag:s14] =	ssyncadd.s32 $0xFFFFC000  }
0x87: {  	v6 =	vld [tilespmem:s6+$0x0];
	_ =	sdelay $0x4  }
0x88: {  	v8 =	vperm.xlane v6, v5;
	_ =	sdelay $0x1  }
0x89: {  	v7 =	vperm.xlane v6, v4;
	v8 =	vshll.u32 v8, $0x3  }
0x8a: {  	v55 =	vperm.xlane v6, v1;
	v56 =	vor.u32 v0, v8  }
0x8b: {  	v7 =	vshll.u32 v7, $0x3;
	v8 =	vor.u32 v2, v8;
	[tilespmem:$0x260] =	vst v56  }
0x8c: {  	v9 =	vshll.u32 v55, $0x3;
	v58 =	vor.u32 v0, v7;
	[tilespmem:$0x270] =	vst v8  }
0x8d: {  	v6 =	vperm.xlane v6, v3;
	v57 =	vor.u32 v0, v9;
	v9 =	vor.u32 v2, v9;
	[tilespmem:$0x240] =	vst v58  }
0x8e: {  	[tilespmem:$0x210] =	vst v9  }
0x8f: {  	v6 =	vshll.u32 v6, $0x3;
	v7 =	vor.u32 v2, v7;
	[tilespmem:$0x200] =	vst v57  }
0x90: {  	v8 =	vor.u32 v0, v6;
	[tilespmem:$0x250] =	vst v7  }
0x91: {  	p1 =	seq.s32 s0, $0x0;
	v6 =	vor.u32 v2, v6;
	[tilespmem:$0x220] =	vst v8  }
0x92: {  	s4 =	simm.s32 @!p1 $0xB;
	s25 =	rddreg [dreg:$0x5];
	[tilespmem:$0x230] =	vst v6  }
0x93: {  	[tilespmem:s11], [sflag:$0x5] =	stream.indirect.gather.add.f32 [hbm:s1], $0x80, s25, s15, $0xb8;
	[tilespmem:$0x10400] =	vst v63  }
0x94: {  	_ =	swait.ge @!p1 [sflag:s4], $0x4000  }
0x95: {  	s7 =	sadd.s32 s0, s10;
	[sflag:s4] =	ssyncset.done @!p1 $0x0  }
0x96: {  	s8 =	simm.s32 @!p1 $0x8;
	s25 =	sadd.s32 $0x1000, s7;
	[sflag:s4] =	ssyncadd.s32 @!p1 $0xFFFFC000  }
0x97: {  	[tilespmem:s16], [sflag:$0x3] =	stream.linear.gather [hbm4b:s25+s2], $0x4000, $0x38;
	[tilespmem:$0x10400] =	vst v63  }
0x98: {  	_ =	swait.ge @!p1 [sflag:s8], $0x4000  }
0x99: {  	s13 =	simm.s32 @!p1 $0x0;
	s6 =	sadd.s32 @!p1 s0, s9;
	[sflag:s8] =	ssyncset.done @!p1 $0x0  }
0x9a: {  	s24 =	simm.s32 @!p1 $0xC400;
	s6 =	sadd.s32 @!p1 $0xFFFFF800, s6;
	[sflag:s8] =	ssyncadd.s32 @!p1 $0xFFFFC000  }
0x9b: {  	[hbm4b:s6+s13] =	stream.linear.scatter @!p1 [tilespmem:s24], [sflag:$0xC], $0x4000, $0x38;
	[tilespmem:$0x10400] =	vst v63  }
0x9c: {  	s8 =	sadd.s32 $0x10, s5;
	_ =	swait.ge [sflag:s17], $0x4000  }
0x9d: {  	s6 =	sand.u32 $0x180, s5;
	s4 =	sand.u32 $0x50, s8;
	[sflag:s17] =	ssyncset.done $0x0  }
0x9e: {  	s4 =	sadd.s32 s4, s6;
	[sflag:s17] =	ssyncadd.s32 $0xFFFFC000  }
0x9f: {  	v6 =	vld [tilespmem:s4+$0x0];
	_ =	sdelay $0x4  }
0xa0: {  	v8 =	vperm.xlane v6, v5  }
0xa1: {  	v59 =	vperm.xlane v6, v3  }
0xa2: {  	v7 =	vperm.xlane v6, v1;
	v8 =	vshll.u32 v8, $0x3  }
0xa3: {  	v6 =	vperm.xlane v6, v4;
	v9 =	vshll.u32 v59, $0x3;
	v61 =	vor.u32 v0, v8  }
0xa4: {  	v62 =	vor.u32 v0, v9;
	[tilespmem:$0x2E0] =	vst v61  }
0xa5: {  	v6 =	vshll.u32 v6, $0x3;
	v9 =	vor.u32 v2, v9;
	[tilespmem:$0x2A0] =	vst v62  }
0xa6: {  	v63 =	vor.u32 v0, v6;
	[tilespmem:$0x2B0] =	vst v9  }
0xa7: {  	v7 =	vshll.u32 v7, $0x3;
	v6 =	vor.u32 v2, v6;
	[tilespmem:$0x2C0] =	vst v63  }
0xa8: {  	v60 =	vor.u32 v0, v7;
	[tilespmem:$0x2D0] =	vst v6  }
0xa9: {  	v7 =	vor.u32 v2, v7;
	[tilespmem:$0x280] =	vst v60  }
0xaa: {  	[tilespmem:$0x290] =	vst v7;
	v6 =	vor.u32 v2, v8  }
0xab: {  	s8 =	simm.s32 @!p1 $0xC;
	s13 =	rddreg [dreg:$0x6];
	[tilespmem:$0x2F0] =	vst v6  }
0xac: {  	[tilespmem:s12], [sflag:$0x6] =	stream.indirect.gather.add.f32 [hbm:s1], $0x80, s13, s15, $0xb8;
	[tilespmem:$0x10400] =	vst v63  }
0xad: {  	_ =	swait.ge @!p1 [sflag:s8], $0x4000  }
0xae: {  	[sflag:s8] =	ssyncset.done @!p1 $0x0  }
0xaf: {  	s24 =	sadd.s32 $0x1800, s7;
	[sflag:s8] =	ssyncadd.s32 @!p1 $0xFFFFC000  }
0xb0: {  	[tilespmem:s18], [sflag:$0x4] =	stream.linear.gather [hbm4b:s24+s2], $0x4000, $0x38;
	[tilespmem:$0x10400] =	vst v63  }
0xb1: {  	_ =	swait.ge [sflag:s19], $0x4000  }
0xb2: {  	s3 =	sadd.s32 $0x2000, s3;
	[sflag:s19] =	ssyncset.done $0x0  }
0xb3: {  	p0 =	sne.s32 s3, $0x10000;
	s7 =	sadd.s32 s0, s9;
	[sflag:s19] =	ssyncadd.s32 $0xFFFFC000  }
0xb4: {  	[hbm4b:s7+s2] =	stream.linear.scatter [tilespmem:s11], [sflag:$0x9], $0x4000, $0x38;
	[tilespmem:$0x10400] =	vst v63  }
.Ltmp0:
0xb5: {  	_ = 	snop;
	(pc) =	sbr.rel @p0 .LBB2_2-.Ltmp0, $4  }
0xb6: {  	s25 =	sadd.s32 $0x20, s5;
	_ =	swait.ge [sflag:s20], $0x4000  }
0xb7: {  	s4 =	sand.u32 $0x60, s25;
	[sflag:s20] =	ssyncset.done $0x0  }
0xb8: {  	s4 =	sadd.s32 s4, s6;
	[sflag:s20] =	ssyncadd.s32 $0xFFFFC000  }
0xb9: {  	v6 =	vld [tilespmem:s4+$0x0]  }
0xba: {  	_ =	sdelay $0x3  }
0xbb: {  	v7 =	vperm.xlane v6, v4;
	_ =	sdelay $0x1  }
0xbc: {  	v8 =	vperm.xlane v6, v5;
	v7 =	vshll.u32 v7, $0x3  }
0xbd: {  	v9 =	vperm.xlane v6, v1;
	v6 =	vperm.xlane v6, v3;
	v10 =	vor.u32 v2, v7  }
0xbe: {  	v8 =	vshll.u32 v8, $0x3;
	v7 =	vor.u32 v0, v7;
	[tilespmem:$0x350] =	vst v10  }
0xbf: {  	v6 =	vshll.u32 v6, $0x3;
	v57 =	vor.u32 v0, v8;
	[tilespmem:$0x340] =	vst v7  }
0xc0: {  	v58 =	vor.u32 v0, v6;
	[tilespmem:$0x360] =	vst v57  }
0xc1: {  	v9 =	vshll.u32 v9, $0x3;
	v6 =	vor.u32 v2, v6;
	[tilespmem:$0x320] =	vst v58  }
0xc2: {  	v7 =	vor.u32 v0, v9;
	[tilespmem:$0x330] =	vst v6  }
0xc3: {  	v9 =	vor.u32 v2, v9;
	[tilespmem:$0x300] =	vst v7  }
0xc4: {  	v7 =	vor.u32 v2, v8;
	[tilespmem:$0x310] =	vst v9  }
0xc5: {  	s3 =	rddreg [dreg:$0x7];
	p0 =	seq.s32 s0, $0xE000;
	[tilespmem:$0x370] =	vst v7  }
0xc6: {  	[tilespmem:s16], [sflag:$0x7] =	stream.indirect.gather.add.f32 [hbm:s1], $0x80, s3, s15, $0xb8;
	[tilespmem:$0x10400] =	vst v63  }
0xc7: {  	s3 =	simm.s32 @!p0 $0x9  }
0xc8: {  	_ =	swait.ge @!p0 [sflag:s3], $0x4000  }
0xc9: {  	s0 =	sadd.s32 @!p0 s0, s10;
	s4 =	simm.s32 @!p0 $0x400;
	[sflag:s3] =	ssyncset.done @!p0 $0x0  }
0xca: {  	s5 =	simm.s32 @!p0 $0x0;
	[sflag:s3] =	ssyncadd.s32 @!p0 $0xFFFFC000;
	s3 =	sadd.s32 @!p0 $0x2000, s0  }
0xcb: {  	[tilespmem:s4], [sflag:$0x1] =	stream.linear.gather @!p0 [hbm4b:s3+s5], $0x4000, $0x38;
	[tilespmem:$0x10400] =	vst v63  }
0xcc: {  	_ =	swait.ge [sflag:s21], $0x4000  }
0xcd: {  	[sflag:s21] =	ssyncset.done $0x0  }
0xce: {  	s25 =	sadd.s32 $0x800, s7;
	[sflag:s21] =	ssyncadd.s32 $0xFFFFC000  }
0xcf: {  	[hbm4b:s25+s2] =	stream.linear.scatter [tilespmem:s12], [sflag:$0xA], $0x4000, $0x38;
	[tilespmem:$0x10400] =	vst v63  }
0xd0: {  	_ =	swait.ge [sflag:s22], $0x4000  }
0xd1: {  	s4 =	sand.u32 $0x70, s31;
	[sflag:s22] =	ssyncset.done $0x0  }
0xd2: {  	s3 =	sadd.s32 s4, s6;
	[sflag:s22] =	ssyncadd.s32 $0xFFFFC000  }
0xd3: {  	v6 =	vld [tilespmem:s3+$0x0];
	_ =	sdelay $0x4  }
0xd4: {  	v7 =	vperm.xlane v6, v3  }
0xd5: {  	v59 =	vperm.xlane v6, v4  }
0xd6: {  	v60 =	vperm.xlane v6, v1;
	v7 =	vshll.u32 v7, $0x3  }
0xd7: {  	v6 =	vperm.xlane v6, v5;
	v8 =	vshll.u32 v59, $0x3;
	v61 =	vor.u32 v0, v7  }
0xd8: {  	v9 =	vshll.u32 v60, $0x3;
	v62 =	vor.u32 v0, v8;
	[tilespmem:$0x3A0] =	vst v61  }
0xd9: {  	v6 =	vshll.u32 v6, $0x3;
	v11 =	vor.u32 v0, v9;
	[tilespmem:$0x3C0] =	vst v62  }
0xda: {  	v63 =	vor.u32 v0, v6;
	[tilespmem:$0x380] =	vst v11  }
0xdb: {  	v9 =	vor.u32 v2, v9;
	[tilespmem:$0x3E0] =	vst v63  }
0xdc: {  	v6 =	vor.u32 v2, v6;
	[tilespmem:$0x390] =	vst v9  }
0xdd: {  	v8 =	vor.u32 v2, v8;
	[tilespmem:$0x3F0] =	vst v6  }
0xde: {  	v6 =	vor.u32 v2, v7;
	[tilespmem:$0x3D0] =	vst v8  }
0xdf: {  	s4 =	simm.s32 @!p0 $0xA;
	s6 =	rddreg [dreg:$0x8];
	[tilespmem:$0x3B0] =	vst v6  }
0xe0: {  	[tilespmem:s18], [sflag:$0x8] =	stream.indirect.gather.add.f32 [hbm:s1], $0x80, s6, s15, $0xb8;
	[tilespmem:$0x10400] =	vst v63  }
0xe1: {  	_ =	swait.ge @!p0 [sflag:s4], $0x4000  }
0xe2: {  	[sflag:s4] =	ssyncset.done @!p0 $0x0  }
0xe3: {  	s0 =	sadd.s32 @!p0 $0x2800, s0;
	s3 =	simm.s32 @!p0 $0x4400;
	[sflag:s4] =	ssyncadd.s32 @!p0 $0xFFFFC000  }
0xe4: {  	[tilespmem:s3], [sflag:$0x2] =	stream.linear.gather @!p0 [hbm4b:s0+s5], $0x4000, $0x38;
	[tilespmem:$0x10400] =	vst v63  }
0xe5: {  	_ =	swait.ge [sflag:s23], $0x4000  }
0xe6: {  	[sflag:s23] =	ssyncset.done $0x0  }
0xe7: {  	s8 =	sadd.s32 $0x1000, s7;
	s13 =	simm.s32 $0x8;
	[sflag:s23] =	ssyncadd.s32 $0xFFFFC000  }
0xe8: {  	[hbm4b:s8+s2] =	stream.linear.scatter [tilespmem:s16], [sflag:$0xB], $0x4000, $0x38;
	[tilespmem:$0x10400] =	vst v63  }
0xe9: {  	_ =	swait.ge [sflag:s13], $0x4000  }
0xea: {  	[sflag:s13] =	ssyncset.done $0x0  }
0xeb: {  	s25 =	simm.s32 $0x9;
	s24 =	rddreg [dreg:$0xc];
	[sflag:s13] =	ssyncadd.s32 $0xFFFFC000  }
0xec: {  	[hbm4b:s24+s2] =	stream.linear.scatter [tilespmem:s18], [sflag:$0xC], $0x4000, $0x38;
	[tilespmem:$0x10400] =	vst v63  }
0xed: {  	_ =	swait.ge [sflag:s25], $0x4000  }
0xee: {  	[sflag:s25] =	ssyncset.done $0x0  }
0xef: {  	[sflag:s25] =	ssyncadd.s32 $0xFFFFC000  }
0xf0: {  	_ =	swait.ge [sflag:s26], $0x4000  }
0xf1: {  	[sflag:s26] =	ssyncset.done $0x0  }
0xf2: {  	[sflag:s26] =	ssyncadd.s32 $0xFFFFC000  }
0xf3: {  	_ =	swait.ge [sflag:s28], $0x4000  }
0xf4: {  	[sflag:s28] =	ssyncset.done $0x0  }
0xf5: {  	[sflag:s28] =	ssyncadd.s32 $0xFFFFC000  }
0xf6: {  	_ =	swait.ge [sflag:s29], $0x4000  }
0xf7: {  	s30 =	sadd.s32 $0x1, s30;
	s31 =	rddreg [dreg:$0xd]  }
0xf8: {  	p0 =	sne.s32 s30, s31  }
.Ltmp1:
0xf9: {  	_ = 	snop;
	(pc) =	sbr.rel @p0 .LBB2_1-.Ltmp1, $3  }
0xfa: {  	_ =	sdelay $0x1  }
0xfb: {  	[sflag:s29] =	ssyncset.done $0x0  }
0xfc: {  	[sflag:s29] =	ssyncadd.s32 $0xFFFFC000  }
0xfd: {  	_ =	sfence.sel $0x180000  }
0xfe: {  	[bflag:$0x0] =	sbarrier.arrive $0xFFFF  }
0xff: {  	_ =	strace $0x90000047  }
0x100: {  	s0 =	stileid.u32;
	[bflag:$0x2] =	sbarrier.arrive $0xFFFF  }
0x101: {  	p0 =	sne.s32 s0, $0x0;
	s0 =	rddreg [dreg:$0x4]  }
0x102: {  	s0 =	sadd.s32 @!p0 $0x100000, s0  }
0x103: {  	[sflag:s0] =	ssyncadd.tile.s32 @!p0 $0x1;
	_ =	shalt  }
.Lfunc_end2:
_tile_overlayer_lowered:
.L_overlay_start_2:
0x104: {  	(tag) =	ssettag $0x2  }
0x105: {  	s0 =	rddreg [dreg:$0x0];
	s2 =	stileid.u32  }
0x106: {  	s1 =	rddreg [dreg:$0x1];
	p0 =	sne.s32 s2, $0x0  }
0x107: {  	s3 =	rddreg [dreg:$0x2];
	[bflag:$0x3] =	sbarrier.arrive $0xFFFF;
	s2 =	simm.s32 @!p0 $0x1C0D  }
0x108: {  	[timem:s3], [sflag:s2] =	dma.local @!p0 [hbm:s0], s1  }
0x109: {  	s0 =	simm.s32 @!p0 $0xD  }
0x10a: {  	_ =	swait.ge @!p0 [sflag:s0], s1  }
0x10b: {  	s1 =	ssub.s32 @!p0 $0x0, s1;
	[sflag:s0] =	ssyncset.done @!p0 $0x0  }
0x10c: {  	[sflag:s0] =	ssyncadd.s32 @!p0 s1  }
0x10d: {  	[bflag:$0x3] =	sbarrier.arrive $0xFFFF  }
0x10e: {  	_ =	shalt  }

</sc_bundles>
